<compile_context>
chip_gen: v7x
topology: tpu7x:2x2x1
jax: 0.10.2.dev20260603
libtpu: 0.0.44.dev20260713+nightly
codegen_flags: <defaults>
</compile_context>

<pallas_src>
import functools
import math

import jax
import jax.numpy as jnp
from jax import lax
from jax.experimental import pallas as pl
from jax.experimental.pallas import tpu as pltpu
from jax.experimental.pallas import tpu_sc as plsc

N_HEADS = 16
QLEN = 2048
KLEN = 2048
TBL = 4224


def _table_body(bias_ref, out_ref):
    i = lax.broadcasted_iota(jnp.int32, (1, TBL), 1)
    delta = i - 2047
    rel_gt = (delta > 0).astype(jnp.int32) * 128
    ad = jnp.abs(delta)
    is_small = ad < 64
    ril = 64 + (jnp.log(ad.astype(jnp.float32) / 64)
                / math.log(2048 / 64) * (128 - 64)).astype(jnp.int32)
    ril = jnp.minimum(ril, jnp.full_like(ril, 127))
    inner = rel_gt + jnp.where(is_small, ad, ril)
    bucket = jnp.where(i < 4095, inner, jnp.minimum(i - 4095 + 256, 287))
    onehot = (bucket == lax.broadcasted_iota(jnp.int32, (288, TBL), 0))
    out_ref[...] = lax.dot_general(
        bias_ref[...], onehot.astype(jnp.float32),
        (((0,), (0,)), ((), ())), preferred_element_type=jnp.float32,
        precision=lax.Precision.HIGHEST)


def _build_table(bias):
    return pl.pallas_call(
        _table_body,
        out_shape=jax.ShapeDtypeStruct((N_HEADS, TBL), jnp.float32),
    )(bias)


KQ = 512
N_UNITS = 64


def _sc_body(tt_hbm, qpos_hbm, kpos_hbm, rel_hbm, out_hbm,
             t_v, kpos_v, qpos_v, rel_v, out_v,
             sem_r0, sem_r1, sem_o0, sem_o1):
    nc = 2
    wid = lax.axis_index("s") * nc + lax.axis_index("c")
    hh = wid % 2
    rb = wid // 2
    h0 = hh * 8
    q0 = rb * 128
    sem_r = (sem_r0, sem_r1)
    sem_o = (sem_o0, sem_o1)

    def unit_sm(u):
        return u // 4, u % 4

    def rel_copy(u, p):
        s, m = unit_sm(u)
        return pltpu.make_async_copy(
            rel_hbm.at[0, pl.ds(q0 + 8 * s, 8), pl.ds(KQ * m, KQ)],
            rel_v.at[p], sem_r[p])

    def out_copy(u, p):
        s, m = unit_sm(u)
        return pltpu.make_async_copy(
            out_v.at[p],
            out_hbm.at[0, pl.ds(h0, 8), pl.ds(q0 + 8 * s, 8),
                       pl.ds(KQ * m, KQ)],
            sem_o[p])

    tt_dma = pltpu.make_async_copy(tt_hbm.at[pl.ds(h0, 8)], t_v, sem_o0)
    tt_dma.start()
    rel_copy(0, 0).start()
    rel_copy(1, 1).start()
    pltpu.sync_copy(kpos_hbm, kpos_v)
    pltpu.sync_copy(qpos_hbm, qpos_v)
    tt_dma.wait()

    def unit_pair(i, carry):
        for p in range(2):
            u = i * 2 + p
            s, m = unit_sm(u)

            @pl.when(u >= 2)
            def _wait_out():
                out_copy(u - 2, p).wait()

            rel_copy(u, p).wait()

            def row(qi, carry2):
                qsplat = plsc.load_gather(
                    qpos_v,
                    [jnp.full((16,), 0, jnp.int32) + (q0 + 8 * s + qi)])
                qoff = 2047 - qsplat

                @plsc.parallel_loop(0, KQ // 16, unroll=8)
                def chunk(c):
                    kp = kpos_v[pl.ds(KQ * m + c * 16, 16)]
                    rel = rel_v[p, qi, pl.ds(c * 16, 16)]
                    idx = jnp.where(rel == 0, kp + qoff, rel + 4094)
                    for h in range(8):
                        val = plsc.load_gather(
                            t_v, [jnp.full((16,), h, jnp.int32), idx])
                        out_v[p, h, qi, pl.ds(c * 16, 16)] = val

                return carry2

            lax.fori_loop(0, 8, row, 0)
            out_copy(u, p).start()

            @pl.when(u + 2 < N_UNITS)
            def _prefetch_rel():
                rel_copy(u + 2, p).start()
        return carry

    lax.fori_loop(0, N_UNITS // 2, unit_pair, 0)
    out_copy(N_UNITS - 2, 0).wait()
    out_copy(N_UNITS - 1, 1).wait()


@functools.partial(jax.jit, static_argnums=())
def _sc_gather(tt, qpos, kpos, rel):
    fn = pl.kernel(
        _sc_body,
        mesh=plsc.VectorSubcoreMesh(core_axis_name="c", subcore_axis_name="s"),
        out_type=jax.ShapeDtypeStruct((1, N_HEADS, QLEN, KLEN), jnp.float32),
        compiler_params=pltpu.CompilerParams(needs_layout_passes=False),
        scratch_types=[
            pltpu.VMEM((8, TBL), jnp.float32),
            pltpu.VMEM((KLEN,), jnp.int32),
            pltpu.VMEM((QLEN,), jnp.int32),
            pltpu.VMEM((2, 8, KQ), jnp.int32),
            pltpu.VMEM((2, 8, 8, KQ), jnp.float32),
            pltpu.SemaphoreType.DMA,
            pltpu.SemaphoreType.DMA,
            pltpu.SemaphoreType.DMA,
            pltpu.SemaphoreType.DMA,
        ],
    )
    return fn(tt, qpos, kpos, rel)


def kernel(query_pos, key_pos, rel_buckets, relative_attention_bias):
    qp = query_pos.reshape(QLEN)
    kp = key_pos.reshape(KLEN)
    tt = _build_table(relative_attention_bias)
    return _sc_gather(tt, qp, kp, rel_buckets)

# --- scband reference (transcript-rebuilt; emitter-appended) ---
"""Pipeline reference for scband-cpm-bee-bucket-position-bias-46505905881563 (READ-ONLY COPY).

The authoritative reference and input builder live on the scoring server;
editing this copy changes nothing except your own understanding.
"""

import math
import jax, jax.numpy as jnp
import numpy as np

NUM_HEADS = 16
NUM_BUCKETS = 256
NUM_SEGMENT_BUCKETS = 32
MAX_DISTANCE = 2048

def _position_bucket(relative_position, num_buckets=NUM_BUCKETS, max_distance=MAX_DISTANCE):
    num_buckets //= 2
    relative_buckets = (relative_position > 0).astype(jnp.int32) * num_buckets
    relative_position = jnp.abs(relative_position)
    max_exact = num_buckets // 2
    is_small = relative_position < max_exact
    rel_if_large = max_exact + (jnp.log(relative_position.astype(jnp.float32) / max_exact) / math.log(max_distance / max_exact) * (num_buckets - max_exact)).astype(jnp.int32)
    rel_if_large = jnp.minimum(rel_if_large, jnp.full_like(rel_if_large, num_buckets - 1))
    relative_buckets = relative_buckets + jnp.where(is_small, relative_position.astype(jnp.int32), rel_if_large)
    return relative_buckets

def setup_inputs(seed: int = 0) -> dict:
    key = jax.random.key(seed)
    k1, k2, k3, k4 = jax.random.split(key, 4)
    batch, qlen, klen = 1, 2048, 2048
    query_pos = jnp.sort(jax.random.randint(k1, (batch, qlen), 0, 2048), axis=-1).astype(jnp.int32)
    key_pos = jnp.sort(jax.random.randint(k2, (batch, klen), 0, 2048), axis=-1).astype(jnp.int32)
    rel_buckets = jax.random.randint(k3, (batch, qlen, klen), 0, 33).astype(jnp.int32)
    relative_attention_bias = jax.random.normal(k4, (NUM_BUCKETS + NUM_SEGMENT_BUCKETS, NUM_HEADS), dtype=jnp.float32) * 0.02
    return {"query_pos": query_pos, "key_pos": key_pos, "rel_buckets": rel_buckets, "relative_attention_bias": relative_attention_bias}

def reference(query_pos, key_pos, rel_buckets, relative_attention_bias):
    relative_position_bucket = (rel_buckets - 1 + NUM_BUCKETS).astype(jnp.int32)
    inner_segment_bucket = _position_bucket(key_pos[..., None, :].astype(jnp.int32) - query_pos[..., :, None].astype(jnp.int32), num_buckets=NUM_BUCKETS, max_distance=MAX_DISTANCE)
    relative_position_bucket = jnp.where(rel_buckets == 0, inner_segment_bucket, relative_position_bucket)
    embeds = jnp.take(relative_attention_bias, relative_position_bucket, axis=0)
    embeds = jnp.transpose(embeds, (0, 3, 1, 2))
    return embeds

if __name__ == "__main__":
    import jax
    _d = setup_inputs()
    print(jax.jit(kernel)(*tuple(_d.values())))

</pallas_src>

<mosaic_0001>
#map = affine_map<(d0, d1) -> (0, 0)>
#map1 = affine_map<(d0, d1) -> (0)>
#map2 = affine_map<(d0, d1) -> (0, 0, 0)>
#map3 = affine_map<(d0, d1) -> (0, 0, 0, 0)>
module attributes {stable_mosaic.version = 14 : i64} {
  func.func @_sc_body(%arg0: i32, %arg1: i32, %arg2: memref<16x4224xf32, #tpu.memory_space<hbm>>, %arg3: memref<2048xi32, #tpu.memory_space<hbm>>, %arg4: memref<2048xi32, #tpu.memory_space<hbm>>, %arg5: memref<1x2048x2048xi32, #tpu.memory_space<hbm>>, %arg6: memref<1x16x2048x2048xf32, #tpu.memory_space<hbm>>, %arg7: memref<8x4224xf32, #tpu.memory_space<vmem>>, %arg8: memref<2048xi32, #tpu.memory_space<vmem>>, %arg9: memref<2048xi32, #tpu.memory_space<vmem>>, %arg10: memref<2x8x512xi32, #tpu.memory_space<vmem>>, %arg11: memref<2x8x8x512xf32, #tpu.memory_space<vmem>>, %arg12: memref<!tpu.dma_semaphore, #tpu.memory_space<semaphore_mem>>, %arg13: memref<!tpu.dma_semaphore, #tpu.memory_space<semaphore_mem>>, %arg14: memref<!tpu.dma_semaphore, #tpu.memory_space<semaphore_mem>>, %arg15: memref<!tpu.dma_semaphore, #tpu.memory_space<semaphore_mem>>) attributes {dimension_semantics = [#tpu.dimension_semantics<core_parallel>, #tpu.dimension_semantics<subcore_parallel>], iteration_bounds = array<i64: 2, 16>, scalar_prefetch = 0 : i64, scratch_operands = 9 : i64, tpu.core_type = #tpu.core_type<sc_vector_subcore>, window_params = [{transform_indices = #map}, {transform_indices = #map1}, {transform_indices = #map1}, {transform_indices = #map2}, {transform_indices = #map3}]} {
    %mul3A = arith.constant 2 : i32
    %mul3A_0 = arith.muli %arg1, %mul3A : i32
    %add3A = arith.addi %mul3A_0, %arg0 : i32
    %jit3A = arith.constant 2 : i32
    %eq3A = arith.constant 0 : i32
    %eq3A_1 = arith.cmpi eq, %jit3A, %eq3A : i32
    %jit3A_2 = arith.constant 1 : i32
    %select_n3A = arith.select %eq3A_1, %jit3A_2, %jit3A : i32
    %rem3A = arith.remsi %add3A, %select_n3A : i32
    %ne3A = arith.constant 0 : i32
    %ne3A_3 = arith.cmpi ne, %rem3A, %ne3A : i32
    %lt3A = arith.constant 0 : i32
    %lt3A_4 = arith.cmpi slt, %rem3A, %lt3A : i32
    %lt3A_5 = arith.constant 0 : i32
    %lt3A_6 = arith.cmpi slt, %select_n3A, %lt3A_5 : i32
    %ne3A_7 = arith.xori %lt3A_4, %lt3A_6 : i1
    %and3A = arith.andi %ne3A_7, %ne3A_3 : i1
    %add3A_8 = arith.addi %rem3A, %select_n3A : i32
    %select_n3A_9 = arith.select %and3A, %add3A_8, %rem3A : i32
    %jit3A_10 = arith.constant 2 : i32
    %div3A = arith.divsi %add3A, %jit3A_10 : i32
    %sign3A = arith.constant 0 : i32
    %sign3A_11 = arith.cmpi sgt, %add3A, %sign3A : i32
    %sign3A_12 = arith.extui %sign3A_11 : i1 to i32
    %sign3A_13 = arith.constant 0 : i32
    %sign3A_14 = arith.cmpi slt, %add3A, %sign3A_13 : i32
    %sign3A_15 = arith.extui %sign3A_14 : i1 to i32
    %sign3A_16 = arith.subi %sign3A_12, %sign3A_15 : i32
    %sign3A_17 = arith.constant 0 : i32
    %sign3A_18 = arith.cmpi sgt, %jit3A_10, %sign3A_17 : i32
    %sign3A_19 = arith.extui %sign3A_18 : i1 to i32
    %sign3A_20 = arith.constant 0 : i32
    %sign3A_21 = arith.cmpi slt, %jit3A_10, %sign3A_20 : i32
    %sign3A_22 = arith.extui %sign3A_21 : i1 to i32
    %sign3A_23 = arith.subi %sign3A_19, %sign3A_22 : i32
    %ne3A_24 = arith.cmpi ne, %sign3A_16, %sign3A_23 : i32
    %rem3A_25 = arith.remsi %add3A, %jit3A_10 : i32
    %ne3A_26 = arith.constant 0 : i32
    %ne3A_27 = arith.cmpi ne, %rem3A_25, %ne3A_26 : i32
    %and3A_28 = arith.andi %ne3A_24, %ne3A_27 : i1
    %sub3A = arith.constant 1 : i32
    %sub3A_29 = arith.subi %div3A, %sub3A : i32
    %select_n3A_30 = arith.select %and3A_28, %sub3A_29, %div3A : i32
    %mul3A_31 = arith.constant 8 : i32
    %mul3A_32 = arith.muli %select_n3A_9, %mul3A_31 : i32
    %mul3A_33 = arith.constant 128 : i32
    %mul3A_34 = arith.muli %select_n3A_30, %mul3A_33 : i32
    %dma_start3A = arith.constant 0 : i32
    %dma_start3A_35 = tpu.memref_slice %arg2[%mul3A_32, %dma_start3A] : memref<16x4224xf32, #tpu.memory_space<hbm>> -> memref<8x4224xf32, #tpu.memory_space<hbm>>
    %dma_start3A_36 = arith.constant 0 : i32
    %dma_start3A_37 = tpu.memref_slice %arg2[%mul3A_32, %dma_start3A_36] : memref<16x4224xf32, #tpu.memory_space<hbm>> -> memref<8x4224xf32, #tpu.memory_space<hbm>>
    tpu.enqueue_dma source(%dma_start3A_37 : memref<8x4224xf32, #tpu.memory_space<hbm>>) target(%arg7 : memref<8x4224xf32, #tpu.memory_space<vmem>>) target_semaphore(%arg14 : memref<!tpu.dma_semaphore, #tpu.memory_space<semaphore_mem>>)
    %add3A_38 = arith.constant 0 : i32
    %add3A_39 = arith.addi %mul3A_34, %add3A_38 : i32
    %dma_start3A_40 = arith.constant 0 : i32
    %dma_start3A_41 = arith.constant 0 : i32
    %dma_start3A_42 = arith.constant 0 : i32
    %dma_start3A_43 = arith.constant 0 : i32
    %dma_start3A_44 = tpu.memref_slice %arg10[%dma_start3A_41, %dma_start3A_42, %dma_start3A_43] : memref<2x8x512xi32, #tpu.memory_space<vmem>> -> memref<1x8x512xi32, #tpu.memory_space<vmem>>
    %dma_start3A_45 = tpu.memref_squeeze %dma_start3A_44 : memref<1x8x512xi32, #tpu.memory_space<vmem>> -> memref<8x512xi32, #tpu.memory_space<vmem>>
    %dma_start3A_46 = arith.constant 0 : i32
    %dma_start3A_47 = tpu.memref_slice %arg5[%dma_start3A_40, %add3A_39, %dma_start3A_46] : memref<1x2048x2048xi32, #tpu.memory_space<hbm>> -> memref<1x8x512xi32, #tpu.memory_space<hbm>>
    %dma_start3A_48 = tpu.memref_squeeze %dma_start3A_47 : memref<1x8x512xi32, #tpu.memory_space<hbm>> -> memref<8x512xi32, #tpu.memory_space<hbm>>
    %dma_start3A_49 = arith.constant 0 : i32
    %dma_start3A_50 = arith.constant 0 : i32
    %dma_start3A_51 = tpu.memref_slice %arg10[%dma_start3A_41, %dma_start3A_49, %dma_start3A_50] : memref<2x8x512xi32, #tpu.memory_space<vmem>> -> memref<1x8x512xi32, #tpu.memory_space<vmem>>
    %dma_start3A_52 = tpu.memref_squeeze %dma_start3A_51 : memref<1x8x512xi32, #tpu.memory_space<vmem>> -> memref<8x512xi32, #tpu.memory_space<vmem>>
    %dma_start3A_53 = arith.constant 0 : i32
    %dma_start3A_54 = tpu.memref_slice %arg5[%dma_start3A_40, %add3A_39, %dma_start3A_53] : memref<1x2048x2048xi32, #tpu.memory_space<hbm>> -> memref<1x8x512xi32, #tpu.memory_space<hbm>>
    %dma_start3A_55 = tpu.memref_squeeze %dma_start3A_54 : memref<1x8x512xi32, #tpu.memory_space<hbm>> -> memref<8x512xi32, #tpu.memory_space<hbm>>
    tpu.enqueue_dma source(%dma_start3A_55 : memref<8x512xi32, #tpu.memory_space<hbm>>) target(%dma_start3A_52 : memref<8x512xi32, #tpu.memory_space<vmem>>) target_semaphore(%arg12 : memref<!tpu.dma_semaphore, #tpu.memory_space<semaphore_mem>>)
    %add3A_56 = arith.constant 0 : i32
    %add3A_57 = arith.addi %mul3A_34, %add3A_56 : i32
    %dma_start3A_58 = arith.constant 0 : i32
    %dma_start3A_59 = arith.constant 1 : i32
    %dma_start3A_60 = arith.constant 0 : i32
    %dma_start3A_61 = arith.constant 0 : i32
    %dma_start3A_62 = tpu.memref_slice %arg10[%dma_start3A_59, %dma_start3A_60, %dma_start3A_61] : memref<2x8x512xi32, #tpu.memory_space<vmem>> -> memref<1x8x512xi32, #tpu.memory_space<vmem>>
    %dma_start3A_63 = tpu.memref_squeeze %dma_start3A_62 : memref<1x8x512xi32, #tpu.memory_space<vmem>> -> memref<8x512xi32, #tpu.memory_space<vmem>>
    %dma_start3A_64 = arith.constant 512 : i32
    %dma_start3A_65 = tpu.memref_slice %arg5[%dma_start3A_58, %add3A_57, %dma_start3A_64] : memref<1x2048x2048xi32, #tpu.memory_space<hbm>> -> memref<1x8x512xi32, #tpu.memory_space<hbm>>
    %dma_start3A_66 = tpu.memref_squeeze %dma_start3A_65 : memref<1x8x512xi32, #tpu.memory_space<hbm>> -> memref<8x512xi32, #tpu.memory_space<hbm>>
    %dma_start3A_67 = arith.constant 0 : i32
    %dma_start3A_68 = arith.constant 0 : i32
    %dma_start3A_69 = tpu.memref_slice %arg10[%dma_start3A_59, %dma_start3A_67, %dma_start3A_68] : memref<2x8x512xi32, #tpu.memory_space<vmem>> -> memref<1x8x512xi32, #tpu.memory_space<vmem>>
    %dma_start3A_70 = tpu.memref_squeeze %dma_start3A_69 : memref<1x8x512xi32, #tpu.memory_space<vmem>> -> memref<8x512xi32, #tpu.memory_space<vmem>>
    %dma_start3A_71 = arith.constant 512 : i32
    %dma_start3A_72 = tpu.memref_slice %arg5[%dma_start3A_58, %add3A_57, %dma_start3A_71] : memref<1x2048x2048xi32, #tpu.memory_space<hbm>> -> memref<1x8x512xi32, #tpu.memory_space<hbm>>
    %dma_start3A_73 = tpu.memref_squeeze %dma_start3A_72 : memref<1x8x512xi32, #tpu.memory_space<hbm>> -> memref<8x512xi32, #tpu.memory_space<hbm>>
    tpu.enqueue_dma source(%dma_start3A_73 : memref<8x512xi32, #tpu.memory_space<hbm>>) target(%dma_start3A_70 : memref<8x512xi32, #tpu.memory_space<vmem>>) target_semaphore(%arg13 : memref<!tpu.dma_semaphore, #tpu.memory_space<semaphore_mem>>)
    "tpu.region"() ({
      %run_scoped3A = tpu.sem_alloc : memref<!tpu.dma_semaphore, #tpu.memory_space<semaphore_mem>>
      tpu.enqueue_dma source(%arg4 : memref<2048xi32, #tpu.memory_space<hbm>>) target(%arg8 : memref<2048xi32, #tpu.memory_space<vmem>>) target_semaphore(%run_scoped3A : memref<!tpu.dma_semaphore, #tpu.memory_space<semaphore_mem>>)
      tpu.wait_dma2 semaphore(%run_scoped3A : memref<!tpu.dma_semaphore, #tpu.memory_space<semaphore_mem>>) src(%arg4 : memref<2048xi32, #tpu.memory_space<hbm>>) dst(%arg8 : memref<2048xi32, #tpu.memory_space<vmem>>)
      tpu.yield
    }) : () -> ()
    "tpu.region"() ({
      %run_scoped3A = tpu.sem_alloc : memref<!tpu.dma_semaphore, #tpu.memory_space<semaphore_mem>>
      tpu.enqueue_dma source(%arg3 : memref<2048xi32, #tpu.memory_space<hbm>>) target(%arg9 : memref<2048xi32, #tpu.memory_space<vmem>>) target_semaphore(%run_scoped3A : memref<!tpu.dma_semaphore, #tpu.memory_space<semaphore_mem>>)
      tpu.wait_dma2 semaphore(%run_scoped3A : memref<!tpu.dma_semaphore, #tpu.memory_space<semaphore_mem>>) src(%arg3 : memref<2048xi32, #tpu.memory_space<hbm>>) dst(%arg9 : memref<2048xi32, #tpu.memory_space<vmem>>)
      tpu.yield
    }) : () -> ()
    %dma_wait3A = arith.constant 0 : i32
    %dma_wait3A_74 = tpu.memref_slice %arg2[%mul3A_32, %dma_wait3A] : memref<16x4224xf32, #tpu.memory_space<hbm>> -> memref<8x4224xf32, #tpu.memory_space<hbm>>
    %dma_wait3A_75 = arith.constant 0 : i32
    %dma_wait3A_76 = tpu.memref_slice %arg2[%mul3A_32, %dma_wait3A_75] : memref<16x4224xf32, #tpu.memory_space<hbm>> -> memref<8x4224xf32, #tpu.memory_space<hbm>>
    tpu.wait_dma2 semaphore(%arg14 : memref<!tpu.dma_semaphore, #tpu.memory_space<semaphore_mem>>) src(%dma_wait3A_76 : memref<8x4224xf32, #tpu.memory_space<hbm>>) dst(%arg7 : memref<8x4224xf32, #tpu.memory_space<vmem>>)
    %scan3A = arith.constant 0 : i32
    %scan3A_77 = arith.constant 0 : i32
    %scan3A_78 = arith.constant 32 : i32
    %scan3A_79 = arith.addi %scan3A_77, %scan3A_78 : i32
    %scan3A_80 = arith.constant 1 : i32
    scf.for %scan3A_122 = %scan3A_77 to %scan3A_79 step %scan3A_80  : i32 {
      %mul3A_123 = arith.constant 2 : i32
      %mul3A_124 = arith.muli %scan3A_122, %mul3A_123 : i32
      %add3A_125 = arith.constant 0 : i32
      %add3A_126 = arith.addi %mul3A_124, %add3A_125 : i32
      %jit3A_127 = arith.constant 4 : i32
      %div3A_128 = arith.divsi %add3A_126, %jit3A_127 : i32
      %sign3A_129 = arith.constant 0 : i32
      %sign3A_130 = arith.cmpi sgt, %add3A_126, %sign3A_129 : i32
      %sign3A_131 = arith.extui %sign3A_130 : i1 to i32
      %sign3A_132 = arith.constant 0 : i32
      %sign3A_133 = arith.cmpi slt, %add3A_126, %sign3A_132 : i32
      %sign3A_134 = arith.extui %sign3A_133 : i1 to i32
      %sign3A_135 = arith.subi %sign3A_131, %sign3A_134 : i32
      %sign3A_136 = arith.constant 0 : i32
      %sign3A_137 = arith.cmpi sgt, %jit3A_127, %sign3A_136 : i32
      %sign3A_138 = arith.extui %sign3A_137 : i1 to i32
      %sign3A_139 = arith.constant 0 : i32
      %sign3A_140 = arith.cmpi slt, %jit3A_127, %sign3A_139 : i32
      %sign3A_141 = arith.extui %sign3A_140 : i1 to i32
      %sign3A_142 = arith.subi %sign3A_138, %sign3A_141 : i32
      %ne3A_143 = arith.cmpi ne, %sign3A_135, %sign3A_142 : i32
      %rem3A_144 = arith.remsi %add3A_126, %jit3A_127 : i32
      %ne3A_145 = arith.constant 0 : i32
      %ne3A_146 = arith.cmpi ne, %rem3A_144, %ne3A_145 : i32
      %and3A_147 = arith.andi %ne3A_143, %ne3A_146 : i1
      %sub3A_148 = arith.constant 1 : i32
      %sub3A_149 = arith.subi %div3A_128, %sub3A_148 : i32
      %select_n3A_150 = arith.select %and3A_147, %sub3A_149, %div3A_128 : i32
      %jit3A_151 = arith.constant 4 : i32
      %eq3A_152 = arith.constant 0 : i32
      %eq3A_153 = arith.cmpi eq, %jit3A_151, %eq3A_152 : i32
      %jit3A_154 = arith.constant 1 : i32
      %select_n3A_155 = arith.select %eq3A_153, %jit3A_154, %jit3A_151 : i32
      %rem3A_156 = arith.remsi %add3A_126, %select_n3A_155 : i32
      %ne3A_157 = arith.constant 0 : i32
      %ne3A_158 = arith.cmpi ne, %rem3A_156, %ne3A_157 : i32
      %lt3A_159 = arith.constant 0 : i32
      %lt3A_160 = arith.cmpi slt, %rem3A_156, %lt3A_159 : i32
      %lt3A_161 = arith.constant 0 : i32
      %lt3A_162 = arith.cmpi slt, %select_n3A_155, %lt3A_161 : i32
      %ne3A_163 = arith.xori %lt3A_160, %lt3A_162 : i1
      %and3A_164 = arith.andi %ne3A_163, %ne3A_158 : i1
      %add3A_165 = arith.addi %rem3A_156, %select_n3A_155 : i32
      %select_n3A_166 = arith.select %and3A_164, %add3A_165, %rem3A_156 : i32
      %ge3A = arith.constant 2 : i32
      %ge3A_167 = arith.cmpi sge, %add3A_126, %ge3A : i32
      %convert_element_type3A = arith.extui %ge3A_167 : i1 to i32
      %cond3A = arith.constant 0 : i32
      %cond3A_168 = arith.cmpi ne, %convert_element_type3A, %cond3A : i32
      scf.if %cond3A_168 {
        %sub3A_484 = arith.constant 2 : i32
        %sub3A_485 = arith.subi %add3A_126, %sub3A_484 : i32
        %jit3A_486 = arith.constant 4 : i32
        %div3A_487 = arith.divsi %sub3A_485, %jit3A_486 : i32
        %sign3A_488 = arith.constant 0 : i32
        %sign3A_489 = arith.cmpi sgt, %sub3A_485, %sign3A_488 : i32
        %sign3A_490 = arith.extui %sign3A_489 : i1 to i32
        %sign3A_491 = arith.constant 0 : i32
        %sign3A_492 = arith.cmpi slt, %sub3A_485, %sign3A_491 : i32
        %sign3A_493 = arith.extui %sign3A_492 : i1 to i32
        %sign3A_494 = arith.subi %sign3A_490, %sign3A_493 : i32
        %sign3A_495 = arith.constant 0 : i32
        %sign3A_496 = arith.cmpi sgt, %jit3A_486, %sign3A_495 : i32
        %sign3A_497 = arith.extui %sign3A_496 : i1 to i32
        %sign3A_498 = arith.constant 0 : i32
        %sign3A_499 = arith.cmpi slt, %jit3A_486, %sign3A_498 : i32
        %sign3A_500 = arith.extui %sign3A_499 : i1 to i32
        %sign3A_501 = arith.subi %sign3A_497, %sign3A_500 : i32
        %ne3A_502 = arith.cmpi ne, %sign3A_494, %sign3A_501 : i32
        %rem3A_503 = arith.remsi %sub3A_485, %jit3A_486 : i32
        %ne3A_504 = arith.constant 0 : i32
        %ne3A_505 = arith.cmpi ne, %rem3A_503, %ne3A_504 : i32
        %and3A_506 = arith.andi %ne3A_502, %ne3A_505 : i1
        %sub3A_507 = arith.constant 1 : i32
        %sub3A_508 = arith.subi %div3A_487, %sub3A_507 : i32
        %select_n3A_509 = arith.select %and3A_506, %sub3A_508, %div3A_487 : i32
        %jit3A_510 = arith.constant 4 : i32
        %eq3A_511 = arith.constant 0 : i32
        %eq3A_512 = arith.cmpi eq, %jit3A_510, %eq3A_511 : i32
        %jit3A_513 = arith.constant 1 : i32
        %select_n3A_514 = arith.select %eq3A_512, %jit3A_513, %jit3A_510 : i32
        %rem3A_515 = arith.remsi %sub3A_485, %select_n3A_514 : i32
        %ne3A_516 = arith.constant 0 : i32
        %ne3A_517 = arith.cmpi ne, %rem3A_515, %ne3A_516 : i32
        %lt3A_518 = arith.constant 0 : i32
        %lt3A_519 = arith.cmpi slt, %rem3A_515, %lt3A_518 : i32
        %lt3A_520 = arith.constant 0 : i32
        %lt3A_521 = arith.cmpi slt, %select_n3A_514, %lt3A_520 : i32
        %ne3A_522 = arith.xori %lt3A_519, %lt3A_521 : i1
        %and3A_523 = arith.andi %ne3A_522, %ne3A_517 : i1
        %add3A_524 = arith.addi %rem3A_515, %select_n3A_514 : i32
        %select_n3A_525 = arith.select %and3A_523, %add3A_524, %rem3A_515 : i32
        %mul3A_526 = arith.constant 8 : i32
        %mul3A_527 = arith.muli %mul3A_526, %select_n3A_509 : i32
        %add3A_528 = arith.addi %mul3A_34, %mul3A_527 : i32
        %mul3A_529 = arith.constant 512 : i32
        %mul3A_530 = arith.muli %mul3A_529, %select_n3A_525 : i32
        %dma_wait3A_531 = arith.constant 0 : i32
        %dma_wait3A_532 = arith.constant 0 : i32
        %dma_wait3A_533 = arith.constant 0 : i32
        %dma_wait3A_534 = arith.constant 0 : i32
        %dma_wait3A_535 = arith.constant 0 : i32
        %dma_wait3A_536 = tpu.memref_slice %arg11[%dma_wait3A_531, %dma_wait3A_533, %dma_wait3A_534, %dma_wait3A_535] : memref<2x8x8x512xf32, #tpu.memory_space<vmem>> -> memref<1x8x8x512xf32, #tpu.memory_space<vmem>>
        %dma_wait3A_537 = tpu.memref_squeeze %dma_wait3A_536 : memref<1x8x8x512xf32, #tpu.memory_space<vmem>> -> memref<8x8x512xf32, #tpu.memory_space<vmem>>
        %dma_wait3A_538 = tpu.memref_slice %arg6[%dma_wait3A_532, %mul3A_32, %add3A_528, %mul3A_530] : memref<1x16x2048x2048xf32, #tpu.memory_space<hbm>> -> memref<1x8x8x512xf32, #tpu.memory_space<hbm>>
        %dma_wait3A_539 = tpu.memref_squeeze %dma_wait3A_538 : memref<1x8x8x512xf32, #tpu.memory_space<hbm>> -> memref<8x8x512xf32, #tpu.memory_space<hbm>>
        %dma_wait3A_540 = tpu.memref_slice %arg6[%dma_wait3A_532, %mul3A_32, %add3A_528, %mul3A_530] : memref<1x16x2048x2048xf32, #tpu.memory_space<hbm>> -> memref<1x8x8x512xf32, #tpu.memory_space<hbm>>
        %dma_wait3A_541 = tpu.memref_squeeze %dma_wait3A_540 : memref<1x8x8x512xf32, #tpu.memory_space<hbm>> -> memref<8x8x512xf32, #tpu.memory_space<hbm>>
        %dma_wait3A_542 = arith.constant 0 : i32
        %dma_wait3A_543 = arith.constant 0 : i32
        %dma_wait3A_544 = arith.constant 0 : i32
        %dma_wait3A_545 = tpu.memref_slice %arg11[%dma_wait3A_531, %dma_wait3A_542, %dma_wait3A_543, %dma_wait3A_544] : memref<2x8x8x512xf32, #tpu.memory_space<vmem>> -> memref<1x8x8x512xf32, #tpu.memory_space<vmem>>
        %dma_wait3A_546 = tpu.memref_squeeze %dma_wait3A_545 : memref<1x8x8x512xf32, #tpu.memory_space<vmem>> -> memref<8x8x512xf32, #tpu.memory_space<vmem>>
        tpu.wait_dma2 semaphore(%arg14 : memref<!tpu.dma_semaphore, #tpu.memory_space<semaphore_mem>>) src(%dma_wait3A_546 : memref<8x8x512xf32, #tpu.memory_space<vmem>>) dst(%dma_wait3A_541 : memref<8x8x512xf32, #tpu.memory_space<hbm>>)
      } else {
      }
      %jit3A_169 = arith.constant 4 : i32
      %div3A_170 = arith.divsi %add3A_126, %jit3A_169 : i32
      %sign3A_171 = arith.constant 0 : i32
      %sign3A_172 = arith.cmpi sgt, %add3A_126, %sign3A_171 : i32
      %sign3A_173 = arith.extui %sign3A_172 : i1 to i32
      %sign3A_174 = arith.constant 0 : i32
      %sign3A_175 = arith.cmpi slt, %add3A_126, %sign3A_174 : i32
      %sign3A_176 = arith.extui %sign3A_175 : i1 to i32
      %sign3A_177 = arith.subi %sign3A_173, %sign3A_176 : i32
      %sign3A_178 = arith.constant 0 : i32
      %sign3A_179 = arith.cmpi sgt, %jit3A_169, %sign3A_178 : i32
      %sign3A_180 = arith.extui %sign3A_179 : i1 to i32
      %sign3A_181 = arith.constant 0 : i32
      %sign3A_182 = arith.cmpi slt, %jit3A_169, %sign3A_181 : i32
      %sign3A_183 = arith.extui %sign3A_182 : i1 to i32
      %sign3A_184 = arith.subi %sign3A_180, %sign3A_183 : i32
      %ne3A_185 = arith.cmpi ne, %sign3A_177, %sign3A_184 : i32
      %rem3A_186 = arith.remsi %add3A_126, %jit3A_169 : i32
      %ne3A_187 = arith.constant 0 : i32
      %ne3A_188 = arith.cmpi ne, %rem3A_186, %ne3A_187 : i32
      %and3A_189 = arith.andi %ne3A_185, %ne3A_188 : i1
      %sub3A_190 = arith.constant 1 : i32
      %sub3A_191 = arith.subi %div3A_170, %sub3A_190 : i32
      %select_n3A_192 = arith.select %and3A_189, %sub3A_191, %div3A_170 : i32
      %jit3A_193 = arith.constant 4 : i32
      %eq3A_194 = arith.constant 0 : i32
      %eq3A_195 = arith.cmpi eq, %jit3A_193, %eq3A_194 : i32
      %jit3A_196 = arith.constant 1 : i32
      %select_n3A_197 = arith.select %eq3A_195, %jit3A_196, %jit3A_193 : i32
      %rem3A_198 = arith.remsi %add3A_126, %select_n3A_197 : i32
      %ne3A_199 = arith.constant 0 : i32
      %ne3A_200 = arith.cmpi ne, %rem3A_198, %ne3A_199 : i32
      %lt3A_201 = arith.constant 0 : i32
      %lt3A_202 = arith.cmpi slt, %rem3A_198, %lt3A_201 : i32
      %lt3A_203 = arith.constant 0 : i32
      %lt3A_204 = arith.cmpi slt, %select_n3A_197, %lt3A_203 : i32
      %ne3A_205 = arith.xori %lt3A_202, %lt3A_204 : i1
      %and3A_206 = arith.andi %ne3A_205, %ne3A_200 : i1
      %add3A_207 = arith.addi %rem3A_198, %select_n3A_197 : i32
      %select_n3A_208 = arith.select %and3A_206, %add3A_207, %rem3A_198 : i32
      %mul3A_209 = arith.constant 8 : i32
      %mul3A_210 = arith.muli %mul3A_209, %select_n3A_192 : i32
      %add3A_211 = arith.addi %mul3A_34, %mul3A_210 : i32
      %mul3A_212 = arith.constant 512 : i32
      %mul3A_213 = arith.muli %mul3A_212, %select_n3A_208 : i32
      %dma_wait3A_214 = arith.constant 0 : i32
      %dma_wait3A_215 = arith.constant 0 : i32
      %dma_wait3A_216 = arith.constant 0 : i32
      %dma_wait3A_217 = arith.constant 0 : i32
      %dma_wait3A_218 = tpu.memref_slice %arg10[%dma_wait3A_215, %dma_wait3A_216, %dma_wait3A_217] : memref<2x8x512xi32, #tpu.memory_space<vmem>> -> memref<1x8x512xi32, #tpu.memory_space<vmem>>
      %dma_wait3A_219 = tpu.memref_squeeze %dma_wait3A_218 : memref<1x8x512xi32, #tpu.memory_space<vmem>> -> memref<8x512xi32, #tpu.memory_space<vmem>>
      %dma_wait3A_220 = tpu.memref_slice %arg5[%dma_wait3A_214, %add3A_211, %mul3A_213] : memref<1x2048x2048xi32, #tpu.memory_space<hbm>> -> memref<1x8x512xi32, #tpu.memory_space<hbm>>
      %dma_wait3A_221 = tpu.memref_squeeze %dma_wait3A_220 : memref<1x8x512xi32, #tpu.memory_space<hbm>> -> memref<8x512xi32, #tpu.memory_space<hbm>>
      %dma_wait3A_222 = arith.constant 0 : i32
      %dma_wait3A_223 = arith.constant 0 : i32
      %dma_wait3A_224 = tpu.memref_slice %arg10[%dma_wait3A_215, %dma_wait3A_222, %dma_wait3A_223] : memref<2x8x512xi32, #tpu.memory_space<vmem>> -> memref<1x8x512xi32, #tpu.memory_space<vmem>>
      %dma_wait3A_225 = tpu.memref_squeeze %dma_wait3A_224 : memref<1x8x512xi32, #tpu.memory_space<vmem>> -> memref<8x512xi32, #tpu.memory_space<vmem>>
      %dma_wait3A_226 = tpu.memref_slice %arg5[%dma_wait3A_214, %add3A_211, %mul3A_213] : memref<1x2048x2048xi32, #tpu.memory_space<hbm>> -> memref<1x8x512xi32, #tpu.memory_space<hbm>>
      %dma_wait3A_227 = tpu.memref_squeeze %dma_wait3A_226 : memref<1x8x512xi32, #tpu.memory_space<hbm>> -> memref<8x512xi32, #tpu.memory_space<hbm>>
      tpu.wait_dma2 semaphore(%arg12 : memref<!tpu.dma_semaphore, #tpu.memory_space<semaphore_mem>>) src(%dma_wait3A_227 : memref<8x512xi32, #tpu.memory_space<hbm>>) dst(%dma_wait3A_225 : memref<8x512xi32, #tpu.memory_space<vmem>>)
      %scan3A_228 = arith.constant 0 : i32
      %scan3A_229 = arith.constant 0 : i32
      %scan3A_230 = arith.constant 8 : i32
      %scan3A_231 = arith.addi %scan3A_229, %scan3A_230 : i32
      %scan3A_232 = arith.constant 1 : i32
      scf.for %scan3A_484 = %scan3A_229 to %scan3A_231 step %scan3A_232  : i32 {
        %broadcast_in_dim3A = arith.constant 0 : i32
        %broadcast_in_dim3A_485 = vector.broadcast %broadcast_in_dim3A : i32 to vector<16xi32>
        %mul3A_486 = arith.constant 8 : i32
        %mul3A_487 = arith.muli %mul3A_486, %select_n3A_150 : i32
        %add3A_488 = arith.addi %mul3A_34, %mul3A_487 : i32
        %add3A_489 = arith.addi %add3A_488, %scan3A_484 : i32
        %add3A_490 = vector.broadcast %add3A_489 : i32 to vector<16xi32>
        %add3A_491 = arith.addi %broadcast_in_dim3A_485, %add3A_490 : vector<16xi32>
        %gather3A = tpu.vector_load_idx %arg9[%add3A_491] : memref<2048xi32, #tpu.memory_space<vmem>>[vector<16xi32>], vector<16xi32>,
        %sub3A_492 = arith.constant 2047 : i32
        %sub3A_493 = vector.broadcast %sub3A_492 : i32 to vector<16xi32>
        %sub3A_494 = arith.subi %sub3A_493, %gather3A : vector<16xi32>
        %parallel_loop3A = arith.constant 0 : i32
        %parallel_loop3A_495 = arith.constant 32 : i32
        %parallel_loop3A_496 = arith.constant 1 : i32
        scf.for %parallel_loop3A_497 = %parallel_loop3A to %parallel_loop3A_495 step %parallel_loop3A_496  : i32 {
          %parallel_loop3A_498 = arith.constant 512 : i32
          %parallel_loop3A_499 = arith.muli %parallel_loop3A_498, %select_n3A_166 : i32
          %parallel_loop3A_500 = arith.constant 16 : i32
          %parallel_loop3A_501 = arith.muli %parallel_loop3A_497, %parallel_loop3A_500 : i32
          %parallel_loop3A_502 = arith.addi %parallel_loop3A_499, %parallel_loop3A_501 : i32
          %parallel_loop3A_503 = arith.index_cast %parallel_loop3A_502 : i32 to index
          %parallel_loop3A_504 = tpu.vector_load %arg8[%parallel_loop3A_503] {strides = array<i32>} : memref<2048xi32, #tpu.memory_space<vmem>>, vector<16xi32>,
          %parallel_loop3A_505 = arith.constant 16 : i32
          %parallel_loop3A_506 = arith.muli %parallel_loop3A_497, %parallel_loop3A_505 : i32
          %parallel_loop3A_507 = arith.constant 0 : i32
          %parallel_loop3A_508 = arith.index_cast %parallel_loop3A_507 : i32 to index
          %parallel_loop3A_509 = arith.index_cast %scan3A_484 : i32 to index
          %parallel_loop3A_510 = arith.index_cast %parallel_loop3A_506 : i32 to index
          %parallel_loop3A_511 = tpu.vector_load %arg10[%parallel_loop3A_508, %parallel_loop3A_509, %parallel_loop3A_510] {strides = array<i32>} : memref<2x8x512xi32, #tpu.memory_space<vmem>>, vector<16xi32>,
          %parallel_loop3A_512 = arith.constant 0 : i32
          %parallel_loop3A_513 = vector.broadcast %parallel_loop3A_512 : i32 to vector<16xi32>
          %parallel_loop3A_514 = arith.cmpi eq, %parallel_loop3A_511, %parallel_loop3A_513 : vector<16xi32>
          %parallel_loop3A_515 = arith.addi %parallel_loop3A_504, %sub3A_494 : vector<16xi32>
          %parallel_loop3A_516 = arith.constant 4094 : i32
          %parallel_loop3A_517 = vector.broadcast %parallel_loop3A_516 : i32 to vector<16xi32>
          %parallel_loop3A_518 = arith.addi %parallel_loop3A_511, %parallel_loop3A_517 : vector<16xi32>
          %parallel_loop3A_519 = arith.select %parallel_loop3A_514, %parallel_loop3A_515, %parallel_loop3A_518 : vector<16xi1>, vector<16xi32>
          %parallel_loop3A_520 = arith.constant 0 : i32
          %parallel_loop3A_521 = vector.broadcast %parallel_loop3A_520 : i32 to vector<16xi32>
          %parallel_loop3A_522 = tpu.vector_load_idx %arg7[%parallel_loop3A_521, %parallel_loop3A_519] : memref<8x4224xf32, #tpu.memory_space<vmem>>[vector<16xi32>, vector<16xi32>], vector<16xf32>,
          %parallel_loop3A_523 = arith.constant 16 : i32
          %parallel_loop3A_524 = arith.muli %parallel_loop3A_497, %parallel_loop3A_523 : i32
          %parallel_loop3A_525 = arith.constant 0 : i32
          %parallel_loop3A_526 = arith.constant 0 : i32
          %parallel_loop3A_527 = arith.index_cast %parallel_loop3A_525 : i32 to index
          %parallel_loop3A_528 = arith.index_cast %parallel_loop3A_526 : i32 to index
          %parallel_loop3A_529 = arith.index_cast %scan3A_484 : i32 to index
          %parallel_loop3A_530 = arith.index_cast %parallel_loop3A_524 : i32 to index
          %parallel_loop3A_531 = tpu.vector_load %arg11[%parallel_loop3A_527, %parallel_loop3A_528, %parallel_loop3A_529, %parallel_loop3A_530] {strides = array<i32>} : memref<2x8x8x512xf32, #tpu.memory_space<vmem>>, vector<16xf32>,
          tpu.vector_store %arg11[%parallel_loop3A_527, %parallel_loop3A_528, %parallel_loop3A_529, %parallel_loop3A_530], %parallel_loop3A_522 {strides = array<i32>} : memref<2x8x8x512xf32, #tpu.memory_space<vmem>>, vector<16xf32>,
          %parallel_loop3A_532 = arith.constant 1 : i32
          %parallel_loop3A_533 = vector.broadcast %parallel_loop3A_532 : i32 to vector<16xi32>
          %parallel_loop3A_534 = tpu.vector_load_idx %arg7[%parallel_loop3A_533, %parallel_loop3A_519] : memref<8x4224xf32, #tpu.memory_space<vmem>>[vector<16xi32>, vector<16xi32>], vector<16xf32>,
          %parallel_loop3A_535 = arith.constant 16 : i32
          %parallel_loop3A_536 = arith.muli %parallel_loop3A_497, %parallel_loop3A_535 : i32
          %parallel_loop3A_537 = arith.constant 0 : i32
          %parallel_loop3A_538 = arith.constant 1 : i32
          %parallel_loop3A_539 = arith.index_cast %parallel_loop3A_537 : i32 to index
          %parallel_loop3A_540 = arith.index_cast %parallel_loop3A_538 : i32 to index
          %parallel_loop3A_541 = arith.index_cast %scan3A_484 : i32 to index
          %parallel_loop3A_542 = arith.index_cast %parallel_loop3A_536 : i32 to index
          %parallel_loop3A_543 = tpu.vector_load %arg11[%parallel_loop3A_539, %parallel_loop3A_540, %parallel_loop3A_541, %parallel_loop3A_542] {strides = array<i32>} : memref<2x8x8x512xf32, #tpu.memory_space<vmem>>, vector<16xf32>,
          tpu.vector_store %arg11[%parallel_loop3A_539, %parallel_loop3A_540, %parallel_loop3A_541, %parallel_loop3A_542], %parallel_loop3A_534 {strides = array<i32>} : memref<2x8x8x512xf32, #tpu.memory_space<vmem>>, vector<16xf32>,
          %parallel_loop3A_544 = arith.constant 2 : i32
          %parallel_loop3A_545 = vector.broadcast %parallel_loop3A_544 : i32 to vector<16xi32>
          %parallel_loop3A_546 = tpu.vector_load_idx %arg7[%parallel_loop3A_545, %parallel_loop3A_519] : memref<8x4224xf32, #tpu.memory_space<vmem>>[vector<16xi32>, vector<16xi32>], vector<16xf32>,
          %parallel_loop3A_547 = arith.constant 16 : i32
          %parallel_loop3A_548 = arith.muli %parallel_loop3A_497, %parallel_loop3A_547 : i32
          %parallel_loop3A_549 = arith.constant 0 : i32
          %parallel_loop3A_550 = arith.constant 2 : i32
          %parallel_loop3A_551 = arith.index_cast %parallel_loop3A_549 : i32 to index
          %parallel_loop3A_552 = arith.index_cast %parallel_loop3A_550 : i32 to index
          %parallel_loop3A_553 = arith.index_cast %scan3A_484 : i32 to index
          %parallel_loop3A_554 = arith.index_cast %parallel_loop3A_548 : i32 to index
          %parallel_loop3A_555 = tpu.vector_load %arg11[%parallel_loop3A_551, %parallel_loop3A_552, %parallel_loop3A_553, %parallel_loop3A_554] {strides = array<i32>} : memref<2x8x8x512xf32, #tpu.memory_space<vmem>>, vector<16xf32>,
          tpu.vector_store %arg11[%parallel_loop3A_551, %parallel_loop3A_552, %parallel_loop3A_553, %parallel_loop3A_554], %parallel_loop3A_546 {strides = array<i32>} : memref<2x8x8x512xf32, #tpu.memory_space<vmem>>, vector<16xf32>,
          %parallel_loop3A_556 = arith.constant 3 : i32
          %parallel_loop3A_557 = vector.broadcast %parallel_loop3A_556 : i32 to vector<16xi32>
          %parallel_loop3A_558 = tpu.vector_load_idx %arg7[%parallel_loop3A_557, %parallel_loop3A_519] : memref<8x4224xf32, #tpu.memory_space<vmem>>[vector<16xi32>, vector<16xi32>], vector<16xf32>,
          %parallel_loop3A_559 = arith.constant 16 : i32
          %parallel_loop3A_560 = arith.muli %parallel_loop3A_497, %parallel_loop3A_559 : i32
          %parallel_loop3A_561 = arith.constant 0 : i32
          %parallel_loop3A_562 = arith.constant 3 : i32
          %parallel_loop3A_563 = arith.index_cast %parallel_loop3A_561 : i32 to index
          %parallel_loop3A_564 = arith.index_cast %parallel_loop3A_562 : i32 to index
          %parallel_loop3A_565 = arith.index_cast %scan3A_484 : i32 to index
          %parallel_loop3A_566 = arith.index_cast %parallel_loop3A_560 : i32 to index
          %parallel_loop3A_567 = tpu.vector_load %arg11[%parallel_loop3A_563, %parallel_loop3A_564, %parallel_loop3A_565, %parallel_loop3A_566] {strides = array<i32>} : memref<2x8x8x512xf32, #tpu.memory_space<vmem>>, vector<16xf32>,
          tpu.vector_store %arg11[%parallel_loop3A_563, %parallel_loop3A_564, %parallel_loop3A_565, %parallel_loop3A_566], %parallel_loop3A_558 {strides = array<i32>} : memref<2x8x8x512xf32, #tpu.memory_space<vmem>>, vector<16xf32>,
          %parallel_loop3A_568 = arith.constant 4 : i32
          %parallel_loop3A_569 = vector.broadcast %parallel_loop3A_568 : i32 to vector<16xi32>
          %parallel_loop3A_570 = tpu.vector_load_idx %arg7[%parallel_loop3A_569, %parallel_loop3A_519] : memref<8x4224xf32, #tpu.memory_space<vmem>>[vector<16xi32>, vector<16xi32>], vector<16xf32>,
          %parallel_loop3A_571 = arith.constant 16 : i32
          %parallel_loop3A_572 = arith.muli %parallel_loop3A_497, %parallel_loop3A_571 : i32
          %parallel_loop3A_573 = arith.constant 0 : i32
          %parallel_loop3A_574 = arith.constant 4 : i32
          %parallel_loop3A_575 = arith.index_cast %parallel_loop3A_573 : i32 to index
          %parallel_loop3A_576 = arith.index_cast %parallel_loop3A_574 : i32 to index
          %parallel_loop3A_577 = arith.index_cast %scan3A_484 : i32 to index
          %parallel_loop3A_578 = arith.index_cast %parallel_loop3A_572 : i32 to index
          %parallel_loop3A_579 = tpu.vector_load %arg11[%parallel_loop3A_575, %parallel_loop3A_576, %parallel_loop3A_577, %parallel_loop3A_578] {strides = array<i32>} : memref<2x8x8x512xf32, #tpu.memory_space<vmem>>, vector<16xf32>,
          tpu.vector_store %arg11[%parallel_loop3A_575, %parallel_loop3A_576, %parallel_loop3A_577, %parallel_loop3A_578], %parallel_loop3A_570 {strides = array<i32>} : memref<2x8x8x512xf32, #tpu.memory_space<vmem>>, vector<16xf32>,
          %parallel_loop3A_580 = arith.constant 5 : i32
          %parallel_loop3A_581 = vector.broadcast %parallel_loop3A_580 : i32 to vector<16xi32>
          %parallel_loop3A_582 = tpu.vector_load_idx %arg7[%parallel_loop3A_581, %parallel_loop3A_519] : memref<8x4224xf32, #tpu.memory_space<vmem>>[vector<16xi32>, vector<16xi32>], vector<16xf32>,
          %parallel_loop3A_583 = arith.constant 16 : i32
          %parallel_loop3A_584 = arith.muli %parallel_loop3A_497, %parallel_loop3A_583 : i32
          %parallel_loop3A_585 = arith.constant 0 : i32
          %parallel_loop3A_586 = arith.constant 5 : i32
          %parallel_loop3A_587 = arith.index_cast %parallel_loop3A_585 : i32 to index
          %parallel_loop3A_588 = arith.index_cast %parallel_loop3A_586 : i32 to index
          %parallel_loop3A_589 = arith.index_cast %scan3A_484 : i32 to index
          %parallel_loop3A_590 = arith.index_cast %parallel_loop3A_584 : i32 to index
          %parallel_loop3A_591 = tpu.vector_load %arg11[%parallel_loop3A_587, %parallel_loop3A_588, %parallel_loop3A_589, %parallel_loop3A_590] {strides = array<i32>} : memref<2x8x8x512xf32, #tpu.memory_space<vmem>>, vector<16xf32>,
          tpu.vector_store %arg11[%parallel_loop3A_587, %parallel_loop3A_588, %parallel_loop3A_589, %parallel_loop3A_590], %parallel_loop3A_582 {strides = array<i32>} : memref<2x8x8x512xf32, #tpu.memory_space<vmem>>, vector<16xf32>,
          %parallel_loop3A_592 = arith.constant 6 : i32
          %parallel_loop3A_593 = vector.broadcast %parallel_loop3A_592 : i32 to vector<16xi32>
          %parallel_loop3A_594 = tpu.vector_load_idx %arg7[%parallel_loop3A_593, %parallel_loop3A_519] : memref<8x4224xf32, #tpu.memory_space<vmem>>[vector<16xi32>, vector<16xi32>], vector<16xf32>,
          %parallel_loop3A_595 = arith.constant 16 : i32
          %parallel_loop3A_596 = arith.muli %parallel_loop3A_497, %parallel_loop3A_595 : i32
          %parallel_loop3A_597 = arith.constant 0 : i32
          %parallel_loop3A_598 = arith.constant 6 : i32
          %parallel_loop3A_599 = arith.index_cast %parallel_loop3A_597 : i32 to index
          %parallel_loop3A_600 = arith.index_cast %parallel_loop3A_598 : i32 to index
          %parallel_loop3A_601 = arith.index_cast %scan3A_484 : i32 to index
          %parallel_loop3A_602 = arith.index_cast %parallel_loop3A_596 : i32 to index
          %parallel_loop3A_603 = tpu.vector_load %arg11[%parallel_loop3A_599, %parallel_loop3A_600, %parallel_loop3A_601, %parallel_loop3A_602] {strides = array<i32>} : memref<2x8x8x512xf32, #tpu.memory_space<vmem>>, vector<16xf32>,
          tpu.vector_store %arg11[%parallel_loop3A_599, %parallel_loop3A_600, %parallel_loop3A_601, %parallel_loop3A_602], %parallel_loop3A_594 {strides = array<i32>} : memref<2x8x8x512xf32, #tpu.memory_space<vmem>>, vector<16xf32>,
          %parallel_loop3A_604 = arith.constant 7 : i32
          %parallel_loop3A_605 = vector.broadcast %parallel_loop3A_604 : i32 to vector<16xi32>
          %parallel_loop3A_606 = tpu.vector_load_idx %arg7[%parallel_loop3A_605, %parallel_loop3A_519] : memref<8x4224xf32, #tpu.memory_space<vmem>>[vector<16xi32>, vector<16xi32>], vector<16xf32>,
          %parallel_loop3A_607 = arith.constant 16 : i32
          %parallel_loop3A_608 = arith.muli %parallel_loop3A_497, %parallel_loop3A_607 : i32
          %parallel_loop3A_609 = arith.constant 0 : i32
          %parallel_loop3A_610 = arith.constant 7 : i32
          %parallel_loop3A_611 = arith.index_cast %parallel_loop3A_609 : i32 to index
          %parallel_loop3A_612 = arith.index_cast %parallel_loop3A_610 : i32 to index
          %parallel_loop3A_613 = arith.index_cast %scan3A_484 : i32 to index
          %parallel_loop3A_614 = arith.index_cast %parallel_loop3A_608 : i32 to index
          %parallel_loop3A_615 = tpu.vector_load %arg11[%parallel_loop3A_611, %parallel_loop3A_612, %parallel_loop3A_613, %parallel_loop3A_614] {strides = array<i32>} : memref<2x8x8x512xf32, #tpu.memory_space<vmem>>, vector<16xf32>,
          tpu.vector_store %arg11[%parallel_loop3A_611, %parallel_loop3A_612, %parallel_loop3A_613, %parallel_loop3A_614], %parallel_loop3A_606 {strides = array<i32>} : memref<2x8x8x512xf32, #tpu.memory_space<vmem>>, vector<16xf32>,
        } {sc.loop_unroll_factor = 8 : i64, sc.parallel_access}
      }
      %scan3A_233 = arith.constant 8 : i32
      %jit3A_234 = arith.constant 4 : i32
      %div3A_235 = arith.divsi %add3A_126, %jit3A_234 : i32
      %sign3A_236 = arith.constant 0 : i32
      %sign3A_237 = arith.cmpi sgt, %add3A_126, %sign3A_236 : i32
      %sign3A_238 = arith.extui %sign3A_237 : i1 to i32
      %sign3A_239 = arith.constant 0 : i32
      %sign3A_240 = arith.cmpi slt, %add3A_126, %sign3A_239 : i32
      %sign3A_241 = arith.extui %sign3A_240 : i1 to i32
      %sign3A_242 = arith.subi %sign3A_238, %sign3A_241 : i32
      %sign3A_243 = arith.constant 0 : i32
      %sign3A_244 = arith.cmpi sgt, %jit3A_234, %sign3A_243 : i32
      %sign3A_245 = arith.extui %sign3A_244 : i1 to i32
      %sign3A_246 = arith.constant 0 : i32
      %sign3A_247 = arith.cmpi slt, %jit3A_234, %sign3A_246 : i32
      %sign3A_248 = arith.extui %sign3A_247 : i1 to i32
      %sign3A_249 = arith.subi %sign3A_245, %sign3A_248 : i32
      %ne3A_250 = arith.cmpi ne, %sign3A_242, %sign3A_249 : i32
      %rem3A_251 = arith.remsi %add3A_126, %jit3A_234 : i32
      %ne3A_252 = arith.constant 0 : i32
      %ne3A_253 = arith.cmpi ne, %rem3A_251, %ne3A_252 : i32
      %and3A_254 = arith.andi %ne3A_250, %ne3A_253 : i1
      %sub3A_255 = arith.constant 1 : i32
      %sub3A_256 = arith.subi %div3A_235, %sub3A_255 : i32
      %select_n3A_257 = arith.select %and3A_254, %sub3A_256, %div3A_235 : i32
      %jit3A_258 = arith.constant 4 : i32
      %eq3A_259 = arith.constant 0 : i32
      %eq3A_260 = arith.cmpi eq, %jit3A_258, %eq3A_259 : i32
      %jit3A_261 = arith.constant 1 : i32
      %select_n3A_262 = arith.select %eq3A_260, %jit3A_261, %jit3A_258 : i32
      %rem3A_263 = arith.remsi %add3A_126, %select_n3A_262 : i32
      %ne3A_264 = arith.constant 0 : i32
      %ne3A_265 = arith.cmpi ne, %rem3A_263, %ne3A_264 : i32
      %lt3A_266 = arith.constant 0 : i32
      %lt3A_267 = arith.cmpi slt, %rem3A_263, %lt3A_266 : i32
      %lt3A_268 = arith.constant 0 : i32
      %lt3A_269 = arith.cmpi slt, %select_n3A_262, %lt3A_268 : i32
      %ne3A_270 = arith.xori %lt3A_267, %lt3A_269 : i1
      %and3A_271 = arith.andi %ne3A_270, %ne3A_265 : i1
      %add3A_272 = arith.addi %rem3A_263, %select_n3A_262 : i32
      %select_n3A_273 = arith.select %and3A_271, %add3A_272, %rem3A_263 : i32
      %mul3A_274 = arith.constant 8 : i32
      %mul3A_275 = arith.muli %mul3A_274, %select_n3A_257 : i32
      %add3A_276 = arith.addi %mul3A_34, %mul3A_275 : i32
      %mul3A_277 = arith.constant 512 : i32
      %mul3A_278 = arith.muli %mul3A_277, %select_n3A_273 : i32
      %dma_start3A_279 = arith.constant 0 : i32
      %dma_start3A_280 = arith.constant 0 : i32
      %dma_start3A_281 = arith.constant 0 : i32
      %dma_start3A_282 = arith.constant 0 : i32
      %dma_start3A_283 = arith.constant 0 : i32
      %dma_start3A_284 = tpu.memref_slice %arg11[%dma_start3A_279, %dma_start3A_281, %dma_start3A_282, %dma_start3A_283] : memref<2x8x8x512xf32, #tpu.memory_space<vmem>> -> memref<1x8x8x512xf32, #tpu.memory_space<vmem>>
      %dma_start3A_285 = tpu.memref_squeeze %dma_start3A_284 : memref<1x8x8x512xf32, #tpu.memory_space<vmem>> -> memref<8x8x512xf32, #tpu.memory_space<vmem>>
      %dma_start3A_286 = tpu.memref_slice %arg6[%dma_start3A_280, %mul3A_32, %add3A_276, %mul3A_278] : memref<1x16x2048x2048xf32, #tpu.memory_space<hbm>> -> memref<1x8x8x512xf32, #tpu.memory_space<hbm>>
      %dma_start3A_287 = tpu.memref_squeeze %dma_start3A_286 : memref<1x8x8x512xf32, #tpu.memory_space<hbm>> -> memref<8x8x512xf32, #tpu.memory_space<hbm>>
      %dma_start3A_288 = tpu.memref_slice %arg6[%dma_start3A_280, %mul3A_32, %add3A_276, %mul3A_278] : memref<1x16x2048x2048xf32, #tpu.memory_space<hbm>> -> memref<1x8x8x512xf32, #tpu.memory_space<hbm>>
      %dma_start3A_289 = tpu.memref_squeeze %dma_start3A_288 : memref<1x8x8x512xf32, #tpu.memory_space<hbm>> -> memref<8x8x512xf32, #tpu.memory_space<hbm>>
      %dma_start3A_290 = arith.constant 0 : i32
      %dma_start3A_291 = arith.constant 0 : i32
      %dma_start3A_292 = arith.constant 0 : i32
      %dma_start3A_293 = tpu.memref_slice %arg11[%dma_start3A_279, %dma_start3A_290, %dma_start3A_291, %dma_start3A_292] : memref<2x8x8x512xf32, #tpu.memory_space<vmem>> -> memref<1x8x8x512xf32, #tpu.memory_space<vmem>>
      %dma_start3A_294 = tpu.memref_squeeze %dma_start3A_293 : memref<1x8x8x512xf32, #tpu.memory_space<vmem>> -> memref<8x8x512xf32, #tpu.memory_space<vmem>>
      tpu.enqueue_dma source(%dma_start3A_294 : memref<8x8x512xf32, #tpu.memory_space<vmem>>) target(%dma_start3A_289 : memref<8x8x512xf32, #tpu.memory_space<hbm>>) target_semaphore(%arg14 : memref<!tpu.dma_semaphore, #tpu.memory_space<semaphore_mem>>)
      %add3A_295 = arith.constant 2 : i32
      %add3A_296 = arith.addi %add3A_126, %add3A_295 : i32
      %lt3A_297 = arith.constant 64 : i32
      %lt3A_298 = arith.cmpi slt, %add3A_296, %lt3A_297 : i32
      %convert_element_type3A_299 = arith.extui %lt3A_298 : i1 to i32
      %cond3A_300 = arith.constant 0 : i32
      %cond3A_301 = arith.cmpi ne, %convert_element_type3A_299, %cond3A_300 : i32
      scf.if %cond3A_301 {
        %add3A_484 = arith.constant 2 : i32
        %add3A_485 = arith.addi %add3A_126, %add3A_484 : i32
        %jit3A_486 = arith.constant 4 : i32
        %div3A_487 = arith.divsi %add3A_485, %jit3A_486 : i32
        %sign3A_488 = arith.constant 0 : i32
        %sign3A_489 = arith.cmpi sgt, %add3A_485, %sign3A_488 : i32
        %sign3A_490 = arith.extui %sign3A_489 : i1 to i32
        %sign3A_491 = arith.constant 0 : i32
        %sign3A_492 = arith.cmpi slt, %add3A_485, %sign3A_491 : i32
        %sign3A_493 = arith.extui %sign3A_492 : i1 to i32
        %sign3A_494 = arith.subi %sign3A_490, %sign3A_493 : i32
        %sign3A_495 = arith.constant 0 : i32
        %sign3A_496 = arith.cmpi sgt, %jit3A_486, %sign3A_495 : i32
        %sign3A_497 = arith.extui %sign3A_496 : i1 to i32
        %sign3A_498 = arith.constant 0 : i32
        %sign3A_499 = arith.cmpi slt, %jit3A_486, %sign3A_498 : i32
        %sign3A_500 = arith.extui %sign3A_499 : i1 to i32
        %sign3A_501 = arith.subi %sign3A_497, %sign3A_500 : i32
        %ne3A_502 = arith.cmpi ne, %sign3A_494, %sign3A_501 : i32
        %rem3A_503 = arith.remsi %add3A_485, %jit3A_486 : i32
        %ne3A_504 = arith.constant 0 : i32
        %ne3A_505 = arith.cmpi ne, %rem3A_503, %ne3A_504 : i32
        %and3A_506 = arith.andi %ne3A_502, %ne3A_505 : i1
        %sub3A_507 = arith.constant 1 : i32
        %sub3A_508 = arith.subi %div3A_487, %sub3A_507 : i32
        %select_n3A_509 = arith.select %and3A_506, %sub3A_508, %div3A_487 : i32
        %jit3A_510 = arith.constant 4 : i32
        %eq3A_511 = arith.constant 0 : i32
        %eq3A_512 = arith.cmpi eq, %jit3A_510, %eq3A_511 : i32
        %jit3A_513 = arith.constant 1 : i32
        %select_n3A_514 = arith.select %eq3A_512, %jit3A_513, %jit3A_510 : i32
        %rem3A_515 = arith.remsi %add3A_485, %select_n3A_514 : i32
        %ne3A_516 = arith.constant 0 : i32
        %ne3A_517 = arith.cmpi ne, %rem3A_515, %ne3A_516 : i32
        %lt3A_518 = arith.constant 0 : i32
        %lt3A_519 = arith.cmpi slt, %rem3A_515, %lt3A_518 : i32
        %lt3A_520 = arith.constant 0 : i32
        %lt3A_521 = arith.cmpi slt, %select_n3A_514, %lt3A_520 : i32
        %ne3A_522 = arith.xori %lt3A_519, %lt3A_521 : i1
        %and3A_523 = arith.andi %ne3A_522, %ne3A_517 : i1
        %add3A_524 = arith.addi %rem3A_515, %select_n3A_514 : i32
        %select_n3A_525 = arith.select %and3A_523, %add3A_524, %rem3A_515 : i32
        %mul3A_526 = arith.constant 8 : i32
        %mul3A_527 = arith.muli %mul3A_526, %select_n3A_509 : i32
        %add3A_528 = arith.addi %mul3A_34, %mul3A_527 : i32
        %mul3A_529 = arith.constant 512 : i32
        %mul3A_530 = arith.muli %mul3A_529, %select_n3A_525 : i32
        %dma_start3A_531 = arith.constant 0 : i32
        %dma_start3A_532 = arith.constant 0 : i32
        %dma_start3A_533 = arith.constant 0 : i32
        %dma_start3A_534 = arith.constant 0 : i32
        %dma_start3A_535 = tpu.memref_slice %arg10[%dma_start3A_532, %dma_start3A_533, %dma_start3A_534] : memref<2x8x512xi32, #tpu.memory_space<vmem>> -> memref<1x8x512xi32, #tpu.memory_space<vmem>>
        %dma_start3A_536 = tpu.memref_squeeze %dma_start3A_535 : memref<1x8x512xi32, #tpu.memory_space<vmem>> -> memref<8x512xi32, #tpu.memory_space<vmem>>
        %dma_start3A_537 = tpu.memref_slice %arg5[%dma_start3A_531, %add3A_528, %mul3A_530] : memref<1x2048x2048xi32, #tpu.memory_space<hbm>> -> memref<1x8x512xi32, #tpu.memory_space<hbm>>
        %dma_start3A_538 = tpu.memref_squeeze %dma_start3A_537 : memref<1x8x512xi32, #tpu.memory_space<hbm>> -> memref<8x512xi32, #tpu.memory_space<hbm>>
        %dma_start3A_539 = arith.constant 0 : i32
        %dma_start3A_540 = arith.constant 0 : i32
        %dma_start3A_541 = tpu.memref_slice %arg10[%dma_start3A_532, %dma_start3A_539, %dma_start3A_540] : memref<2x8x512xi32, #tpu.memory_space<vmem>> -> memref<1x8x512xi32, #tpu.memory_space<vmem>>
        %dma_start3A_542 = tpu.memref_squeeze %dma_start3A_541 : memref<1x8x512xi32, #tpu.memory_space<vmem>> -> memref<8x512xi32, #tpu.memory_space<vmem>>
        %dma_start3A_543 = tpu.memref_slice %arg5[%dma_start3A_531, %add3A_528, %mul3A_530] : memref<1x2048x2048xi32, #tpu.memory_space<hbm>> -> memref<1x8x512xi32, #tpu.memory_space<hbm>>
        %dma_start3A_544 = tpu.memref_squeeze %dma_start3A_543 : memref<1x8x512xi32, #tpu.memory_space<hbm>> -> memref<8x512xi32, #tpu.memory_space<hbm>>
        tpu.enqueue_dma source(%dma_start3A_544 : memref<8x512xi32, #tpu.memory_space<hbm>>) target(%dma_start3A_542 : memref<8x512xi32, #tpu.memory_space<vmem>>) target_semaphore(%arg12 : memref<!tpu.dma_semaphore, #tpu.memory_space<semaphore_mem>>)
      } else {
      }
      %mul3A_302 = arith.constant 2 : i32
      %mul3A_303 = arith.muli %scan3A_122, %mul3A_302 : i32
      %add3A_304 = arith.constant 1 : i32
      %add3A_305 = arith.addi %mul3A_303, %add3A_304 : i32
      %jit3A_306 = arith.constant 4 : i32
      %div3A_307 = arith.divsi %add3A_305, %jit3A_306 : i32
      %sign3A_308 = arith.constant 0 : i32
      %sign3A_309 = arith.cmpi sgt, %add3A_305, %sign3A_308 : i32
      %sign3A_310 = arith.extui %sign3A_309 : i1 to i32
      %sign3A_311 = arith.constant 0 : i32
      %sign3A_312 = arith.cmpi slt, %add3A_305, %sign3A_311 : i32
      %sign3A_313 = arith.extui %sign3A_312 : i1 to i32
      %sign3A_314 = arith.subi %sign3A_310, %sign3A_313 : i32
      %sign3A_315 = arith.constant 0 : i32
      %sign3A_316 = arith.cmpi sgt, %jit3A_306, %sign3A_315 : i32
      %sign3A_317 = arith.extui %sign3A_316 : i1 to i32
      %sign3A_318 = arith.constant 0 : i32
      %sign3A_319 = arith.cmpi slt, %jit3A_306, %sign3A_318 : i32
      %sign3A_320 = arith.extui %sign3A_319 : i1 to i32
      %sign3A_321 = arith.subi %sign3A_317, %sign3A_320 : i32
      %ne3A_322 = arith.cmpi ne, %sign3A_314, %sign3A_321 : i32
      %rem3A_323 = arith.remsi %add3A_305, %jit3A_306 : i32
      %ne3A_324 = arith.constant 0 : i32
      %ne3A_325 = arith.cmpi ne, %rem3A_323, %ne3A_324 : i32
      %and3A_326 = arith.andi %ne3A_322, %ne3A_325 : i1
      %sub3A_327 = arith.constant 1 : i32
      %sub3A_328 = arith.subi %div3A_307, %sub3A_327 : i32
      %select_n3A_329 = arith.select %and3A_326, %sub3A_328, %div3A_307 : i32
      %jit3A_330 = arith.constant 4 : i32
      %eq3A_331 = arith.constant 0 : i32
      %eq3A_332 = arith.cmpi eq, %jit3A_330, %eq3A_331 : i32
      %jit3A_333 = arith.constant 1 : i32
      %select_n3A_334 = arith.select %eq3A_332, %jit3A_333, %jit3A_330 : i32
      %rem3A_335 = arith.remsi %add3A_305, %select_n3A_334 : i32
      %ne3A_336 = arith.constant 0 : i32
      %ne3A_337 = arith.cmpi ne, %rem3A_335, %ne3A_336 : i32
      %lt3A_338 = arith.constant 0 : i32
      %lt3A_339 = arith.cmpi slt, %rem3A_335, %lt3A_338 : i32
      %lt3A_340 = arith.constant 0 : i32
      %lt3A_341 = arith.cmpi slt, %select_n3A_334, %lt3A_340 : i32
      %ne3A_342 = arith.xori %lt3A_339, %lt3A_341 : i1
      %and3A_343 = arith.andi %ne3A_342, %ne3A_337 : i1
      %add3A_344 = arith.addi %rem3A_335, %select_n3A_334 : i32
      %select_n3A_345 = arith.select %and3A_343, %add3A_344, %rem3A_335 : i32
      %ge3A_346 = arith.constant 2 : i32
      %ge3A_347 = arith.cmpi sge, %add3A_305, %ge3A_346 : i32
      %convert_element_type3A_348 = arith.extui %ge3A_347 : i1 to i32
      %cond3A_349 = arith.constant 0 : i32
      %cond3A_350 = arith.cmpi ne, %convert_element_type3A_348, %cond3A_349 : i32
      scf.if %cond3A_350 {
        %sub3A_484 = arith.constant 2 : i32
        %sub3A_485 = arith.subi %add3A_305, %sub3A_484 : i32
        %jit3A_486 = arith.constant 4 : i32
        %div3A_487 = arith.divsi %sub3A_485, %jit3A_486 : i32
        %sign3A_488 = arith.constant 0 : i32
        %sign3A_489 = arith.cmpi sgt, %sub3A_485, %sign3A_488 : i32
        %sign3A_490 = arith.extui %sign3A_489 : i1 to i32
        %sign3A_491 = arith.constant 0 : i32
        %sign3A_492 = arith.cmpi slt, %sub3A_485, %sign3A_491 : i32
        %sign3A_493 = arith.extui %sign3A_492 : i1 to i32
        %sign3A_494 = arith.subi %sign3A_490, %sign3A_493 : i32
        %sign3A_495 = arith.constant 0 : i32
        %sign3A_496 = arith.cmpi sgt, %jit3A_486, %sign3A_495 : i32
        %sign3A_497 = arith.extui %sign3A_496 : i1 to i32
        %sign3A_498 = arith.constant 0 : i32
        %sign3A_499 = arith.cmpi slt, %jit3A_486, %sign3A_498 : i32
        %sign3A_500 = arith.extui %sign3A_499 : i1 to i32
        %sign3A_501 = arith.subi %sign3A_497, %sign3A_500 : i32
        %ne3A_502 = arith.cmpi ne, %sign3A_494, %sign3A_501 : i32
        %rem3A_503 = arith.remsi %sub3A_485, %jit3A_486 : i32
        %ne3A_504 = arith.constant 0 : i32
        %ne3A_505 = arith.cmpi ne, %rem3A_503, %ne3A_504 : i32
        %and3A_506 = arith.andi %ne3A_502, %ne3A_505 : i1
        %sub3A_507 = arith.constant 1 : i32
        %sub3A_508 = arith.subi %div3A_487, %sub3A_507 : i32
        %select_n3A_509 = arith.select %and3A_506, %sub3A_508, %div3A_487 : i32
        %jit3A_510 = arith.constant 4 : i32
        %eq3A_511 = arith.constant 0 : i32
        %eq3A_512 = arith.cmpi eq, %jit3A_510, %eq3A_511 : i32
        %jit3A_513 = arith.constant 1 : i32
        %select_n3A_514 = arith.select %eq3A_512, %jit3A_513, %jit3A_510 : i32
        %rem3A_515 = arith.remsi %sub3A_485, %select_n3A_514 : i32
        %ne3A_516 = arith.constant 0 : i32
        %ne3A_517 = arith.cmpi ne, %rem3A_515, %ne3A_516 : i32
        %lt3A_518 = arith.constant 0 : i32
        %lt3A_519 = arith.cmpi slt, %rem3A_515, %lt3A_518 : i32
        %lt3A_520 = arith.constant 0 : i32
        %lt3A_521 = arith.cmpi slt, %select_n3A_514, %lt3A_520 : i32
        %ne3A_522 = arith.xori %lt3A_519, %lt3A_521 : i1
        %and3A_523 = arith.andi %ne3A_522, %ne3A_517 : i1
        %add3A_524 = arith.addi %rem3A_515, %select_n3A_514 : i32
        %select_n3A_525 = arith.select %and3A_523, %add3A_524, %rem3A_515 : i32
        %mul3A_526 = arith.constant 8 : i32
        %mul3A_527 = arith.muli %mul3A_526, %select_n3A_509 : i32
        %add3A_528 = arith.addi %mul3A_34, %mul3A_527 : i32
        %mul3A_529 = arith.constant 512 : i32
        %mul3A_530 = arith.muli %mul3A_529, %select_n3A_525 : i32
        %dma_wait3A_531 = arith.constant 1 : i32
        %dma_wait3A_532 = arith.constant 0 : i32
        %dma_wait3A_533 = arith.constant 0 : i32
        %dma_wait3A_534 = arith.constant 0 : i32
        %dma_wait3A_535 = arith.constant 0 : i32
        %dma_wait3A_536 = tpu.memref_slice %arg11[%dma_wait3A_531, %dma_wait3A_533, %dma_wait3A_534, %dma_wait3A_535] : memref<2x8x8x512xf32, #tpu.memory_space<vmem>> -> memref<1x8x8x512xf32, #tpu.memory_space<vmem>>
        %dma_wait3A_537 = tpu.memref_squeeze %dma_wait3A_536 : memref<1x8x8x512xf32, #tpu.memory_space<vmem>> -> memref<8x8x512xf32, #tpu.memory_space<vmem>>
        %dma_wait3A_538 = tpu.memref_slice %arg6[%dma_wait3A_532, %mul3A_32, %add3A_528, %mul3A_530] : memref<1x16x2048x2048xf32, #tpu.memory_space<hbm>> -> memref<1x8x8x512xf32, #tpu.memory_space<hbm>>
        %dma_wait3A_539 = tpu.memref_squeeze %dma_wait3A_538 : memref<1x8x8x512xf32, #tpu.memory_space<hbm>> -> memref<8x8x512xf32, #tpu.memory_space<hbm>>
        %dma_wait3A_540 = tpu.memref_slice %arg6[%dma_wait3A_532, %mul3A_32, %add3A_528, %mul3A_530] : memref<1x16x2048x2048xf32, #tpu.memory_space<hbm>> -> memref<1x8x8x512xf32, #tpu.memory_space<hbm>>
        %dma_wait3A_541 = tpu.memref_squeeze %dma_wait3A_540 : memref<1x8x8x512xf32, #tpu.memory_space<hbm>> -> memref<8x8x512xf32, #tpu.memory_space<hbm>>
        %dma_wait3A_542 = arith.constant 0 : i32
        %dma_wait3A_543 = arith.constant 0 : i32
        %dma_wait3A_544 = arith.constant 0 : i32
        %dma_wait3A_545 = tpu.memref_slice %arg11[%dma_wait3A_531, %dma_wait3A_542, %dma_wait3A_543, %dma_wait3A_544] : memref<2x8x8x512xf32, #tpu.memory_space<vmem>> -> memref<1x8x8x512xf32, #tpu.memory_space<vmem>>
        %dma_wait3A_546 = tpu.memref_squeeze %dma_wait3A_545 : memref<1x8x8x512xf32, #tpu.memory_space<vmem>> -> memref<8x8x512xf32, #tpu.memory_space<vmem>>
        tpu.wait_dma2 semaphore(%arg15 : memref<!tpu.dma_semaphore, #tpu.memory_space<semaphore_mem>>) src(%dma_wait3A_546 : memref<8x8x512xf32, #tpu.memory_space<vmem>>) dst(%dma_wait3A_541 : memref<8x8x512xf32, #tpu.memory_space<hbm>>)
      } else {
      }
      %jit3A_351 = arith.constant 4 : i32
      %div3A_352 = arith.divsi %add3A_305, %jit3A_351 : i32
      %sign3A_353 = arith.constant 0 : i32
      %sign3A_354 = arith.cmpi sgt, %add3A_305, %sign3A_353 : i32
      %sign3A_355 = arith.extui %sign3A_354 : i1 to i32
      %sign3A_356 = arith.constant 0 : i32
      %sign3A_357 = arith.cmpi slt, %add3A_305, %sign3A_356 : i32
      %sign3A_358 = arith.extui %sign3A_357 : i1 to i32
      %sign3A_359 = arith.subi %sign3A_355, %sign3A_358 : i32
      %sign3A_360 = arith.constant 0 : i32
      %sign3A_361 = arith.cmpi sgt, %jit3A_351, %sign3A_360 : i32
      %sign3A_362 = arith.extui %sign3A_361 : i1 to i32
      %sign3A_363 = arith.constant 0 : i32
      %sign3A_364 = arith.cmpi slt, %jit3A_351, %sign3A_363 : i32
      %sign3A_365 = arith.extui %sign3A_364 : i1 to i32
      %sign3A_366 = arith.subi %sign3A_362, %sign3A_365 : i32
      %ne3A_367 = arith.cmpi ne, %sign3A_359, %sign3A_366 : i32
      %rem3A_368 = arith.remsi %add3A_305, %jit3A_351 : i32
      %ne3A_369 = arith.constant 0 : i32
      %ne3A_370 = arith.cmpi ne, %rem3A_368, %ne3A_369 : i32
      %and3A_371 = arith.andi %ne3A_367, %ne3A_370 : i1
      %sub3A_372 = arith.constant 1 : i32
      %sub3A_373 = arith.subi %div3A_352, %sub3A_372 : i32
      %select_n3A_374 = arith.select %and3A_371, %sub3A_373, %div3A_352 : i32
      %jit3A_375 = arith.constant 4 : i32
      %eq3A_376 = arith.constant 0 : i32
      %eq3A_377 = arith.cmpi eq, %jit3A_375, %eq3A_376 : i32
      %jit3A_378 = arith.constant 1 : i32
      %select_n3A_379 = arith.select %eq3A_377, %jit3A_378, %jit3A_375 : i32
      %rem3A_380 = arith.remsi %add3A_305, %select_n3A_379 : i32
      %ne3A_381 = arith.constant 0 : i32
      %ne3A_382 = arith.cmpi ne, %rem3A_380, %ne3A_381 : i32
      %lt3A_383 = arith.constant 0 : i32
      %lt3A_384 = arith.cmpi slt, %rem3A_380, %lt3A_383 : i32
      %lt3A_385 = arith.constant 0 : i32
      %lt3A_386 = arith.cmpi slt, %select_n3A_379, %lt3A_385 : i32
      %ne3A_387 = arith.xori %lt3A_384, %lt3A_386 : i1
      %and3A_388 = arith.andi %ne3A_387, %ne3A_382 : i1
      %add3A_389 = arith.addi %rem3A_380, %select_n3A_379 : i32
      %select_n3A_390 = arith.select %and3A_388, %add3A_389, %rem3A_380 : i32
      %mul3A_391 = arith.constant 8 : i32
      %mul3A_392 = arith.muli %mul3A_391, %select_n3A_374 : i32
      %add3A_393 = arith.addi %mul3A_34, %mul3A_392 : i32
      %mul3A_394 = arith.constant 512 : i32
      %mul3A_395 = arith.muli %mul3A_394, %select_n3A_390 : i32
      %dma_wait3A_396 = arith.constant 0 : i32
      %dma_wait3A_397 = arith.constant 1 : i32
      %dma_wait3A_398 = arith.constant 0 : i32
      %dma_wait3A_399 = arith.constant 0 : i32
      %dma_wait3A_400 = tpu.memref_slice %arg10[%dma_wait3A_397, %dma_wait3A_398, %dma_wait3A_399] : memref<2x8x512xi32, #tpu.memory_space<vmem>> -> memref<1x8x512xi32, #tpu.memory_space<vmem>>
      %dma_wait3A_401 = tpu.memref_squeeze %dma_wait3A_400 : memref<1x8x512xi32, #tpu.memory_space<vmem>> -> memref<8x512xi32, #tpu.memory_space<vmem>>
      %dma_wait3A_402 = tpu.memref_slice %arg5[%dma_wait3A_396, %add3A_393, %mul3A_395] : memref<1x2048x2048xi32, #tpu.memory_space<hbm>> -> memref<1x8x512xi32, #tpu.memory_space<hbm>>
      %dma_wait3A_403 = tpu.memref_squeeze %dma_wait3A_402 : memref<1x8x512xi32, #tpu.memory_space<hbm>> -> memref<8x512xi32, #tpu.memory_space<hbm>>
      %dma_wait3A_404 = arith.constant 0 : i32
      %dma_wait3A_405 = arith.constant 0 : i32
      %dma_wait3A_406 = tpu.memref_slice %arg10[%dma_wait3A_397, %dma_wait3A_404, %dma_wait3A_405] : memref<2x8x512xi32, #tpu.memory_space<vmem>> -> memref<1x8x512xi32, #tpu.memory_space<vmem>>
      %dma_wait3A_407 = tpu.memref_squeeze %dma_wait3A_406 : memref<1x8x512xi32, #tpu.memory_space<vmem>> -> memref<8x512xi32, #tpu.memory_space<vmem>>
      %dma_wait3A_408 = tpu.memref_slice %arg5[%dma_wait3A_396, %add3A_393, %mul3A_395] : memref<1x2048x2048xi32, #tpu.memory_space<hbm>> -> memref<1x8x512xi32, #tpu.memory_space<hbm>>
      %dma_wait3A_409 = tpu.memref_squeeze %dma_wait3A_408 : memref<1x8x512xi32, #tpu.memory_space<hbm>> -> memref<8x512xi32, #tpu.memory_space<hbm>>
      tpu.wait_dma2 semaphore(%arg13 : memref<!tpu.dma_semaphore, #tpu.memory_space<semaphore_mem>>) src(%dma_wait3A_409 : memref<8x512xi32, #tpu.memory_space<hbm>>) dst(%dma_wait3A_407 : memref<8x512xi32, #tpu.memory_space<vmem>>)
      %scan3A_410 = arith.constant 0 : i32
      %scan3A_411 = arith.constant 0 : i32
      %scan3A_412 = arith.constant 8 : i32
      %scan3A_413 = arith.addi %scan3A_411, %scan3A_412 : i32
      %scan3A_414 = arith.constant 1 : i32
      scf.for %scan3A_484 = %scan3A_411 to %scan3A_413 step %scan3A_414  : i32 {
        %broadcast_in_dim3A = arith.constant 0 : i32
        %broadcast_in_dim3A_485 = vector.broadcast %broadcast_in_dim3A : i32 to vector<16xi32>
        %mul3A_486 = arith.constant 8 : i32
        %mul3A_487 = arith.muli %mul3A_486, %select_n3A_329 : i32
        %add3A_488 = arith.addi %mul3A_34, %mul3A_487 : i32
        %add3A_489 = arith.addi %add3A_488, %scan3A_484 : i32
        %add3A_490 = vector.broadcast %add3A_489 : i32 to vector<16xi32>
        %add3A_491 = arith.addi %broadcast_in_dim3A_485, %add3A_490 : vector<16xi32>
        %gather3A = tpu.vector_load_idx %arg9[%add3A_491] : memref<2048xi32, #tpu.memory_space<vmem>>[vector<16xi32>], vector<16xi32>,
        %sub3A_492 = arith.constant 2047 : i32
        %sub3A_493 = vector.broadcast %sub3A_492 : i32 to vector<16xi32>
        %sub3A_494 = arith.subi %sub3A_493, %gather3A : vector<16xi32>
        %parallel_loop3A = arith.constant 0 : i32
        %parallel_loop3A_495 = arith.constant 32 : i32
        %parallel_loop3A_496 = arith.constant 1 : i32
        scf.for %parallel_loop3A_497 = %parallel_loop3A to %parallel_loop3A_495 step %parallel_loop3A_496  : i32 {
          %parallel_loop3A_498 = arith.constant 512 : i32
          %parallel_loop3A_499 = arith.muli %parallel_loop3A_498, %select_n3A_345 : i32
          %parallel_loop3A_500 = arith.constant 16 : i32
          %parallel_loop3A_501 = arith.muli %parallel_loop3A_497, %parallel_loop3A_500 : i32
          %parallel_loop3A_502 = arith.addi %parallel_loop3A_499, %parallel_loop3A_501 : i32
          %parallel_loop3A_503 = arith.index_cast %parallel_loop3A_502 : i32 to index
          %parallel_loop3A_504 = tpu.vector_load %arg8[%parallel_loop3A_503] {strides = array<i32>} : memref<2048xi32, #tpu.memory_space<vmem>>, vector<16xi32>,
          %parallel_loop3A_505 = arith.constant 16 : i32
          %parallel_loop3A_506 = arith.muli %parallel_loop3A_497, %parallel_loop3A_505 : i32
          %parallel_loop3A_507 = arith.constant 1 : i32
          %parallel_loop3A_508 = arith.index_cast %parallel_loop3A_507 : i32 to index
          %parallel_loop3A_509 = arith.index_cast %scan3A_484 : i32 to index
          %parallel_loop3A_510 = arith.index_cast %parallel_loop3A_506 : i32 to index
          %parallel_loop3A_511 = tpu.vector_load %arg10[%parallel_loop3A_508, %parallel_loop3A_509, %parallel_loop3A_510] {strides = array<i32>} : memref<2x8x512xi32, #tpu.memory_space<vmem>>, vector<16xi32>,
          %parallel_loop3A_512 = arith.constant 0 : i32
          %parallel_loop3A_513 = vector.broadcast %parallel_loop3A_512 : i32 to vector<16xi32>
          %parallel_loop3A_514 = arith.cmpi eq, %parallel_loop3A_511, %parallel_loop3A_513 : vector<16xi32>
          %parallel_loop3A_515 = arith.addi %parallel_loop3A_504, %sub3A_494 : vector<16xi32>
          %parallel_loop3A_516 = arith.constant 4094 : i32
          %parallel_loop3A_517 = vector.broadcast %parallel_loop3A_516 : i32 to vector<16xi32>
          %parallel_loop3A_518 = arith.addi %parallel_loop3A_511, %parallel_loop3A_517 : vector<16xi32>
          %parallel_loop3A_519 = arith.select %parallel_loop3A_514, %parallel_loop3A_515, %parallel_loop3A_518 : vector<16xi1>, vector<16xi32>
          %parallel_loop3A_520 = arith.constant 0 : i32
          %parallel_loop3A_521 = vector.broadcast %parallel_loop3A_520 : i32 to vector<16xi32>
          %parallel_loop3A_522 = tpu.vector_load_idx %arg7[%parallel_loop3A_521, %parallel_loop3A_519] : memref<8x4224xf32, #tpu.memory_space<vmem>>[vector<16xi32>, vector<16xi32>], vector<16xf32>,
          %parallel_loop3A_523 = arith.constant 16 : i32
          %parallel_loop3A_524 = arith.muli %parallel_loop3A_497, %parallel_loop3A_523 : i32
          %parallel_loop3A_525 = arith.constant 1 : i32
          %parallel_loop3A_526 = arith.constant 0 : i32
          %parallel_loop3A_527 = arith.index_cast %parallel_loop3A_525 : i32 to index
          %parallel_loop3A_528 = arith.index_cast %parallel_loop3A_526 : i32 to index
          %parallel_loop3A_529 = arith.index_cast %scan3A_484 : i32 to index
          %parallel_loop3A_530 = arith.index_cast %parallel_loop3A_524 : i32 to index
          %parallel_loop3A_531 = tpu.vector_load %arg11[%parallel_loop3A_527, %parallel_loop3A_528, %parallel_loop3A_529, %parallel_loop3A_530] {strides = array<i32>} : memref<2x8x8x512xf32, #tpu.memory_space<vmem>>, vector<16xf32>,
          tpu.vector_store %arg11[%parallel_loop3A_527, %parallel_loop3A_528, %parallel_loop3A_529, %parallel_loop3A_530], %parallel_loop3A_522 {strides = array<i32>} : memref<2x8x8x512xf32, #tpu.memory_space<vmem>>, vector<16xf32>,
          %parallel_loop3A_532 = arith.constant 1 : i32
          %parallel_loop3A_533 = vector.broadcast %parallel_loop3A_532 : i32 to vector<16xi32>
          %parallel_loop3A_534 = tpu.vector_load_idx %arg7[%parallel_loop3A_533, %parallel_loop3A_519] : memref<8x4224xf32, #tpu.memory_space<vmem>>[vector<16xi32>, vector<16xi32>], vector<16xf32>,
          %parallel_loop3A_535 = arith.constant 16 : i32
          %parallel_loop3A_536 = arith.muli %parallel_loop3A_497, %parallel_loop3A_535 : i32
          %parallel_loop3A_537 = arith.constant 1 : i32
          %parallel_loop3A_538 = arith.constant 1 : i32
          %parallel_loop3A_539 = arith.index_cast %parallel_loop3A_537 : i32 to index
          %parallel_loop3A_540 = arith.index_cast %parallel_loop3A_538 : i32 to index
          %parallel_loop3A_541 = arith.index_cast %scan3A_484 : i32 to index
          %parallel_loop3A_542 = arith.index_cast %parallel_loop3A_536 : i32 to index
          %parallel_loop3A_543 = tpu.vector_load %arg11[%parallel_loop3A_539, %parallel_loop3A_540, %parallel_loop3A_541, %parallel_loop3A_542] {strides = array<i32>} : memref<2x8x8x512xf32, #tpu.memory_space<vmem>>, vector<16xf32>,
          tpu.vector_store %arg11[%parallel_loop3A_539, %parallel_loop3A_540, %parallel_loop3A_541, %parallel_loop3A_542], %parallel_loop3A_534 {strides = array<i32>} : memref<2x8x8x512xf32, #tpu.memory_space<vmem>>, vector<16xf32>,
          %parallel_loop3A_544 = arith.constant 2 : i32
          %parallel_loop3A_545 = vector.broadcast %parallel_loop3A_544 : i32 to vector<16xi32>
          %parallel_loop3A_546 = tpu.vector_load_idx %arg7[%parallel_loop3A_545, %parallel_loop3A_519] : memref<8x4224xf32, #tpu.memory_space<vmem>>[vector<16xi32>, vector<16xi32>], vector<16xf32>,
          %parallel_loop3A_547 = arith.constant 16 : i32
          %parallel_loop3A_548 = arith.muli %parallel_loop3A_497, %parallel_loop3A_547 : i32
          %parallel_loop3A_549 = arith.constant 1 : i32
          %parallel_loop3A_550 = arith.constant 2 : i32
          %parallel_loop3A_551 = arith.index_cast %parallel_loop3A_549 : i32 to index
          %parallel_loop3A_552 = arith.index_cast %parallel_loop3A_550 : i32 to index
          %parallel_loop3A_553 = arith.index_cast %scan3A_484 : i32 to index
          %parallel_loop3A_554 = arith.index_cast %parallel_loop3A_548 : i32 to index
          %parallel_loop3A_555 = tpu.vector_load %arg11[%parallel_loop3A_551, %parallel_loop3A_552, %parallel_loop3A_553, %parallel_loop3A_554] {strides = array<i32>} : memref<2x8x8x512xf32, #tpu.memory_space<vmem>>, vector<16xf32>,
          tpu.vector_store %arg11[%parallel_loop3A_551, %parallel_loop3A_552, %parallel_loop3A_553, %parallel_loop3A_554], %parallel_loop3A_546 {strides = array<i32>} : memref<2x8x8x512xf32, #tpu.memory_space<vmem>>, vector<16xf32>,
          %parallel_loop3A_556 = arith.constant 3 : i32
          %parallel_loop3A_557 = vector.broadcast %parallel_loop3A_556 : i32 to vector<16xi32>
          %parallel_loop3A_558 = tpu.vector_load_idx %arg7[%parallel_loop3A_557, %parallel_loop3A_519] : memref<8x4224xf32, #tpu.memory_space<vmem>>[vector<16xi32>, vector<16xi32>], vector<16xf32>,
          %parallel_loop3A_559 = arith.constant 16 : i32
          %parallel_loop3A_560 = arith.muli %parallel_loop3A_497, %parallel_loop3A_559 : i32
          %parallel_loop3A_561 = arith.constant 1 : i32
          %parallel_loop3A_562 = arith.constant 3 : i32
          %parallel_loop3A_563 = arith.index_cast %parallel_loop3A_561 : i32 to index
          %parallel_loop3A_564 = arith.index_cast %parallel_loop3A_562 : i32 to index
          %parallel_loop3A_565 = arith.index_cast %scan3A_484 : i32 to index
          %parallel_loop3A_566 = arith.index_cast %parallel_loop3A_560 : i32 to index
          %parallel_loop3A_567 = tpu.vector_load %arg11[%parallel_loop3A_563, %parallel_loop3A_564, %parallel_loop3A_565, %parallel_loop3A_566] {strides = array<i32>} : memref<2x8x8x512xf32, #tpu.memory_space<vmem>>, vector<16xf32>,
          tpu.vector_store %arg11[%parallel_loop3A_563, %parallel_loop3A_564, %parallel_loop3A_565, %parallel_loop3A_566], %parallel_loop3A_558 {strides = array<i32>} : memref<2x8x8x512xf32, #tpu.memory_space<vmem>>, vector<16xf32>,
          %parallel_loop3A_568 = arith.constant 4 : i32
          %parallel_loop3A_569 = vector.broadcast %parallel_loop3A_568 : i32 to vector<16xi32>
          %parallel_loop3A_570 = tpu.vector_load_idx %arg7[%parallel_loop3A_569, %parallel_loop3A_519] : memref<8x4224xf32, #tpu.memory_space<vmem>>[vector<16xi32>, vector<16xi32>], vector<16xf32>,
          %parallel_loop3A_571 = arith.constant 16 : i32
          %parallel_loop3A_572 = arith.muli %parallel_loop3A_497, %parallel_loop3A_571 : i32
          %parallel_loop3A_573 = arith.constant 1 : i32
          %parallel_loop3A_574 = arith.constant 4 : i32
          %parallel_loop3A_575 = arith.index_cast %parallel_loop3A_573 : i32 to index
          %parallel_loop3A_576 = arith.index_cast %parallel_loop3A_574 : i32 to index
          %parallel_loop3A_577 = arith.index_cast %scan3A_484 : i32 to index
          %parallel_loop3A_578 = arith.index_cast %parallel_loop3A_572 : i32 to index
          %parallel_loop3A_579 = tpu.vector_load %arg11[%parallel_loop3A_575, %parallel_loop3A_576, %parallel_loop3A_577, %parallel_loop3A_578] {strides = array<i32>} : memref<2x8x8x512xf32, #tpu.memory_space<vmem>>, vector<16xf32>,
          tpu.vector_store %arg11[%parallel_loop3A_575, %parallel_loop3A_576, %parallel_loop3A_577, %parallel_loop3A_578], %parallel_loop3A_570 {strides = array<i32>} : memref<2x8x8x512xf32, #tpu.memory_space<vmem>>, vector<16xf32>,
          %parallel_loop3A_580 = arith.constant 5 : i32
          %parallel_loop3A_581 = vector.broadcast %parallel_loop3A_580 : i32 to vector<16xi32>
          %parallel_loop3A_582 = tpu.vector_load_idx %arg7[%parallel_loop3A_581, %parallel_loop3A_519] : memref<8x4224xf32, #tpu.memory_space<vmem>>[vector<16xi32>, vector<16xi32>], vector<16xf32>,
          %parallel_loop3A_583 = arith.constant 16 : i32
          %parallel_loop3A_584 = arith.muli %parallel_loop3A_497, %parallel_loop3A_583 : i32
          %parallel_loop3A_585 = arith.constant 1 : i32
          %parallel_loop3A_586 = arith.constant 5 : i32
          %parallel_loop3A_587 = arith.index_cast %parallel_loop3A_585 : i32 to index
          %parallel_loop3A_588 = arith.index_cast %parallel_loop3A_586 : i32 to index
          %parallel_loop3A_589 = arith.index_cast %scan3A_484 : i32 to index
          %parallel_loop3A_590 = arith.index_cast %parallel_loop3A_584 : i32 to index
          %parallel_loop3A_591 = tpu.vector_load %arg11[%parallel_loop3A_587, %parallel_loop3A_588, %parallel_loop3A_589, %parallel_loop3A_590] {strides = array<i32>} : memref<2x8x8x512xf32, #tpu.memory_space<vmem>>, vector<16xf32>,
          tpu.vector_store %arg11[%parallel_loop3A_587, %parallel_loop3A_588, %parallel_loop3A_589, %parallel_loop3A_590], %parallel_loop3A_582 {strides = array<i32>} : memref<2x8x8x512xf32, #tpu.memory_space<vmem>>, vector<16xf32>,
          %parallel_loop3A_592 = arith.constant 6 : i32
          %parallel_loop3A_593 = vector.broadcast %parallel_loop3A_592 : i32 to vector<16xi32>
          %parallel_loop3A_594 = tpu.vector_load_idx %arg7[%parallel_loop3A_593, %parallel_loop3A_519] : memref<8x4224xf32, #tpu.memory_space<vmem>>[vector<16xi32>, vector<16xi32>], vector<16xf32>,
          %parallel_loop3A_595 = arith.constant 16 : i32
          %parallel_loop3A_596 = arith.muli %parallel_loop3A_497, %parallel_loop3A_595 : i32
          %parallel_loop3A_597 = arith.constant 1 : i32
          %parallel_loop3A_598 = arith.constant 6 : i32
          %parallel_loop3A_599 = arith.index_cast %parallel_loop3A_597 : i32 to index
          %parallel_loop3A_600 = arith.index_cast %parallel_loop3A_598 : i32 to index
          %parallel_loop3A_601 = arith.index_cast %scan3A_484 : i32 to index
          %parallel_loop3A_602 = arith.index_cast %parallel_loop3A_596 : i32 to index
          %parallel_loop3A_603 = tpu.vector_load %arg11[%parallel_loop3A_599, %parallel_loop3A_600, %parallel_loop3A_601, %parallel_loop3A_602] {strides = array<i32>} : memref<2x8x8x512xf32, #tpu.memory_space<vmem>>, vector<16xf32>,
          tpu.vector_store %arg11[%parallel_loop3A_599, %parallel_loop3A_600, %parallel_loop3A_601, %parallel_loop3A_602], %parallel_loop3A_594 {strides = array<i32>} : memref<2x8x8x512xf32, #tpu.memory_space<vmem>>, vector<16xf32>,
          %parallel_loop3A_604 = arith.constant 7 : i32
          %parallel_loop3A_605 = vector.broadcast %parallel_loop3A_604 : i32 to vector<16xi32>
          %parallel_loop3A_606 = tpu.vector_load_idx %arg7[%parallel_loop3A_605, %parallel_loop3A_519] : memref<8x4224xf32, #tpu.memory_space<vmem>>[vector<16xi32>, vector<16xi32>], vector<16xf32>,
          %parallel_loop3A_607 = arith.constant 16 : i32
          %parallel_loop3A_608 = arith.muli %parallel_loop3A_497, %parallel_loop3A_607 : i32
          %parallel_loop3A_609 = arith.constant 1 : i32
          %parallel_loop3A_610 = arith.constant 7 : i32
          %parallel_loop3A_611 = arith.index_cast %parallel_loop3A_609 : i32 to index
          %parallel_loop3A_612 = arith.index_cast %parallel_loop3A_610 : i32 to index
          %parallel_loop3A_613 = arith.index_cast %scan3A_484 : i32 to index
          %parallel_loop3A_614 = arith.index_cast %parallel_loop3A_608 : i32 to index
          %parallel_loop3A_615 = tpu.vector_load %arg11[%parallel_loop3A_611, %parallel_loop3A_612, %parallel_loop3A_613, %parallel_loop3A_614] {strides = array<i32>} : memref<2x8x8x512xf32, #tpu.memory_space<vmem>>, vector<16xf32>,
          tpu.vector_store %arg11[%parallel_loop3A_611, %parallel_loop3A_612, %parallel_loop3A_613, %parallel_loop3A_614], %parallel_loop3A_606 {strides = array<i32>} : memref<2x8x8x512xf32, #tpu.memory_space<vmem>>, vector<16xf32>,
        } {sc.loop_unroll_factor = 8 : i64, sc.parallel_access}
      }
      %scan3A_415 = arith.constant 8 : i32
      %jit3A_416 = arith.constant 4 : i32
      %div3A_417 = arith.divsi %add3A_305, %jit3A_416 : i32
      %sign3A_418 = arith.constant 0 : i32
      %sign3A_419 = arith.cmpi sgt, %add3A_305, %sign3A_418 : i32
      %sign3A_420 = arith.extui %sign3A_419 : i1 to i32
      %sign3A_421 = arith.constant 0 : i32
      %sign3A_422 = arith.cmpi slt, %add3A_305, %sign3A_421 : i32
      %sign3A_423 = arith.extui %sign3A_422 : i1 to i32
      %sign3A_424 = arith.subi %sign3A_420, %sign3A_423 : i32
      %sign3A_425 = arith.constant 0 : i32
      %sign3A_426 = arith.cmpi sgt, %jit3A_416, %sign3A_425 : i32
      %sign3A_427 = arith.extui %sign3A_426 : i1 to i32
      %sign3A_428 = arith.constant 0 : i32
      %sign3A_429 = arith.cmpi slt, %jit3A_416, %sign3A_428 : i32
      %sign3A_430 = arith.extui %sign3A_429 : i1 to i32
      %sign3A_431 = arith.subi %sign3A_427, %sign3A_430 : i32
      %ne3A_432 = arith.cmpi ne, %sign3A_424, %sign3A_431 : i32
      %rem3A_433 = arith.remsi %add3A_305, %jit3A_416 : i32
      %ne3A_434 = arith.constant 0 : i32
      %ne3A_435 = arith.cmpi ne, %rem3A_433, %ne3A_434 : i32
      %and3A_436 = arith.andi %ne3A_432, %ne3A_435 : i1
      %sub3A_437 = arith.constant 1 : i32
      %sub3A_438 = arith.subi %div3A_417, %sub3A_437 : i32
      %select_n3A_439 = arith.select %and3A_436, %sub3A_438, %div3A_417 : i32
      %jit3A_440 = arith.constant 4 : i32
      %eq3A_441 = arith.constant 0 : i32
      %eq3A_442 = arith.cmpi eq, %jit3A_440, %eq3A_441 : i32
      %jit3A_443 = arith.constant 1 : i32
      %select_n3A_444 = arith.select %eq3A_442, %jit3A_443, %jit3A_440 : i32
      %rem3A_445 = arith.remsi %add3A_305, %select_n3A_444 : i32
      %ne3A_446 = arith.constant 0 : i32
      %ne3A_447 = arith.cmpi ne, %rem3A_445, %ne3A_446 : i32
      %lt3A_448 = arith.constant 0 : i32
      %lt3A_449 = arith.cmpi slt, %rem3A_445, %lt3A_448 : i32
      %lt3A_450 = arith.constant 0 : i32
      %lt3A_451 = arith.cmpi slt, %select_n3A_444, %lt3A_450 : i32
      %ne3A_452 = arith.xori %lt3A_449, %lt3A_451 : i1
      %and3A_453 = arith.andi %ne3A_452, %ne3A_447 : i1
      %add3A_454 = arith.addi %rem3A_445, %select_n3A_444 : i32
      %select_n3A_455 = arith.select %and3A_453, %add3A_454, %rem3A_445 : i32
      %mul3A_456 = arith.constant 8 : i32
      %mul3A_457 = arith.muli %mul3A_456, %select_n3A_439 : i32
      %add3A_458 = arith.addi %mul3A_34, %mul3A_457 : i32
      %mul3A_459 = arith.constant 512 : i32
      %mul3A_460 = arith.muli %mul3A_459, %select_n3A_455 : i32
      %dma_start3A_461 = arith.constant 1 : i32
      %dma_start3A_462 = arith.constant 0 : i32
      %dma_start3A_463 = arith.constant 0 : i32
      %dma_start3A_464 = arith.constant 0 : i32
      %dma_start3A_465 = arith.constant 0 : i32
      %dma_start3A_466 = tpu.memref_slice %arg11[%dma_start3A_461, %dma_start3A_463, %dma_start3A_464, %dma_start3A_465] : memref<2x8x8x512xf32, #tpu.memory_space<vmem>> -> memref<1x8x8x512xf32, #tpu.memory_space<vmem>>
      %dma_start3A_467 = tpu.memref_squeeze %dma_start3A_466 : memref<1x8x8x512xf32, #tpu.memory_space<vmem>> -> memref<8x8x512xf32, #tpu.memory_space<vmem>>
      %dma_start3A_468 = tpu.memref_slice %arg6[%dma_start3A_462, %mul3A_32, %add3A_458, %mul3A_460] : memref<1x16x2048x2048xf32, #tpu.memory_space<hbm>> -> memref<1x8x8x512xf32, #tpu.memory_space<hbm>>
      %dma_start3A_469 = tpu.memref_squeeze %dma_start3A_468 : memref<1x8x8x512xf32, #tpu.memory_space<hbm>> -> memref<8x8x512xf32, #tpu.memory_space<hbm>>
      %dma_start3A_470 = tpu.memref_slice %arg6[%dma_start3A_462, %mul3A_32, %add3A_458, %mul3A_460] : memref<1x16x2048x2048xf32, #tpu.memory_space<hbm>> -> memref<1x8x8x512xf32, #tpu.memory_space<hbm>>
      %dma_start3A_471 = tpu.memref_squeeze %dma_start3A_470 : memref<1x8x8x512xf32, #tpu.memory_space<hbm>> -> memref<8x8x512xf32, #tpu.memory_space<hbm>>
      %dma_start3A_472 = arith.constant 0 : i32
      %dma_start3A_473 = arith.constant 0 : i32
      %dma_start3A_474 = arith.constant 0 : i32
      %dma_start3A_475 = tpu.memref_slice %arg11[%dma_start3A_461, %dma_start3A_472, %dma_start3A_473, %dma_start3A_474] : memref<2x8x8x512xf32, #tpu.memory_space<vmem>> -> memref<1x8x8x512xf32, #tpu.memory_space<vmem>>
      %dma_start3A_476 = tpu.memref_squeeze %dma_start3A_475 : memref<1x8x8x512xf32, #tpu.memory_space<vmem>> -> memref<8x8x512xf32, #tpu.memory_space<vmem>>
      tpu.enqueue_dma source(%dma_start3A_476 : memref<8x8x512xf32, #tpu.memory_space<vmem>>) target(%dma_start3A_471 : memref<8x8x512xf32, #tpu.memory_space<hbm>>) target_semaphore(%arg15 : memref<!tpu.dma_semaphore, #tpu.memory_space<semaphore_mem>>)
      %add3A_477 = arith.constant 2 : i32
      %add3A_478 = arith.addi %add3A_305, %add3A_477 : i32
      %lt3A_479 = arith.constant 64 : i32
      %lt3A_480 = arith.cmpi slt, %add3A_478, %lt3A_479 : i32
      %convert_element_type3A_481 = arith.extui %lt3A_480 : i1 to i32
      %cond3A_482 = arith.constant 0 : i32
      %cond3A_483 = arith.cmpi ne, %convert_element_type3A_481, %cond3A_482 : i32
      scf.if %cond3A_483 {
        %add3A_484 = arith.constant 2 : i32
        %add3A_485 = arith.addi %add3A_305, %add3A_484 : i32
        %jit3A_486 = arith.constant 4 : i32
        %div3A_487 = arith.divsi %add3A_485, %jit3A_486 : i32
        %sign3A_488 = arith.constant 0 : i32
        %sign3A_489 = arith.cmpi sgt, %add3A_485, %sign3A_488 : i32
        %sign3A_490 = arith.extui %sign3A_489 : i1 to i32
        %sign3A_491 = arith.constant 0 : i32
        %sign3A_492 = arith.cmpi slt, %add3A_485, %sign3A_491 : i32
        %sign3A_493 = arith.extui %sign3A_492 : i1 to i32
        %sign3A_494 = arith.subi %sign3A_490, %sign3A_493 : i32
        %sign3A_495 = arith.constant 0 : i32
        %sign3A_496 = arith.cmpi sgt, %jit3A_486, %sign3A_495 : i32
        %sign3A_497 = arith.extui %sign3A_496 : i1 to i32
        %sign3A_498 = arith.constant 0 : i32
        %sign3A_499 = arith.cmpi slt, %jit3A_486, %sign3A_498 : i32
        %sign3A_500 = arith.extui %sign3A_499 : i1 to i32
        %sign3A_501 = arith.subi %sign3A_497, %sign3A_500 : i32
        %ne3A_502 = arith.cmpi ne, %sign3A_494, %sign3A_501 : i32
        %rem3A_503 = arith.remsi %add3A_485, %jit3A_486 : i32
        %ne3A_504 = arith.constant 0 : i32
        %ne3A_505 = arith.cmpi ne, %rem3A_503, %ne3A_504 : i32
        %and3A_506 = arith.andi %ne3A_502, %ne3A_505 : i1
        %sub3A_507 = arith.constant 1 : i32
        %sub3A_508 = arith.subi %div3A_487, %sub3A_507 : i32
        %select_n3A_509 = arith.select %and3A_506, %sub3A_508, %div3A_487 : i32
        %jit3A_510 = arith.constant 4 : i32
        %eq3A_511 = arith.constant 0 : i32
        %eq3A_512 = arith.cmpi eq, %jit3A_510, %eq3A_511 : i32
        %jit3A_513 = arith.constant 1 : i32
        %select_n3A_514 = arith.select %eq3A_512, %jit3A_513, %jit3A_510 : i32
        %rem3A_515 = arith.remsi %add3A_485, %select_n3A_514 : i32
        %ne3A_516 = arith.constant 0 : i32
        %ne3A_517 = arith.cmpi ne, %rem3A_515, %ne3A_516 : i32
        %lt3A_518 = arith.constant 0 : i32
        %lt3A_519 = arith.cmpi slt, %rem3A_515, %lt3A_518 : i32
        %lt3A_520 = arith.constant 0 : i32
        %lt3A_521 = arith.cmpi slt, %select_n3A_514, %lt3A_520 : i32
        %ne3A_522 = arith.xori %lt3A_519, %lt3A_521 : i1
        %and3A_523 = arith.andi %ne3A_522, %ne3A_517 : i1
        %add3A_524 = arith.addi %rem3A_515, %select_n3A_514 : i32
        %select_n3A_525 = arith.select %and3A_523, %add3A_524, %rem3A_515 : i32
        %mul3A_526 = arith.constant 8 : i32
        %mul3A_527 = arith.muli %mul3A_526, %select_n3A_509 : i32
        %add3A_528 = arith.addi %mul3A_34, %mul3A_527 : i32
        %mul3A_529 = arith.constant 512 : i32
        %mul3A_530 = arith.muli %mul3A_529, %select_n3A_525 : i32
        %dma_start3A_531 = arith.constant 0 : i32
        %dma_start3A_532 = arith.constant 1 : i32
        %dma_start3A_533 = arith.constant 0 : i32
        %dma_start3A_534 = arith.constant 0 : i32
        %dma_start3A_535 = tpu.memref_slice %arg10[%dma_start3A_532, %dma_start3A_533, %dma_start3A_534] : memref<2x8x512xi32, #tpu.memory_space<vmem>> -> memref<1x8x512xi32, #tpu.memory_space<vmem>>
        %dma_start3A_536 = tpu.memref_squeeze %dma_start3A_535 : memref<1x8x512xi32, #tpu.memory_space<vmem>> -> memref<8x512xi32, #tpu.memory_space<vmem>>
        %dma_start3A_537 = tpu.memref_slice %arg5[%dma_start3A_531, %add3A_528, %mul3A_530] : memref<1x2048x2048xi32, #tpu.memory_space<hbm>> -> memref<1x8x512xi32, #tpu.memory_space<hbm>>
        %dma_start3A_538 = tpu.memref_squeeze %dma_start3A_537 : memref<1x8x512xi32, #tpu.memory_space<hbm>> -> memref<8x512xi32, #tpu.memory_space<hbm>>
        %dma_start3A_539 = arith.constant 0 : i32
        %dma_start3A_540 = arith.constant 0 : i32
        %dma_start3A_541 = tpu.memref_slice %arg10[%dma_start3A_532, %dma_start3A_539, %dma_start3A_540] : memref<2x8x512xi32, #tpu.memory_space<vmem>> -> memref<1x8x512xi32, #tpu.memory_space<vmem>>
        %dma_start3A_542 = tpu.memref_squeeze %dma_start3A_541 : memref<1x8x512xi32, #tpu.memory_space<vmem>> -> memref<8x512xi32, #tpu.memory_space<vmem>>
        %dma_start3A_543 = tpu.memref_slice %arg5[%dma_start3A_531, %add3A_528, %mul3A_530] : memref<1x2048x2048xi32, #tpu.memory_space<hbm>> -> memref<1x8x512xi32, #tpu.memory_space<hbm>>
        %dma_start3A_544 = tpu.memref_squeeze %dma_start3A_543 : memref<1x8x512xi32, #tpu.memory_space<hbm>> -> memref<8x512xi32, #tpu.memory_space<hbm>>
        tpu.enqueue_dma source(%dma_start3A_544 : memref<8x512xi32, #tpu.memory_space<hbm>>) target(%dma_start3A_542 : memref<8x512xi32, #tpu.memory_space<vmem>>) target_semaphore(%arg13 : memref<!tpu.dma_semaphore, #tpu.memory_space<semaphore_mem>>)
      } else {
      }
    }
    %scan3A_81 = arith.constant 32 : i32
    %add3A_82 = arith.constant 120 : i32
    %add3A_83 = arith.addi %mul3A_34, %add3A_82 : i32
    %dma_wait3A_84 = arith.constant 0 : i32
    %dma_wait3A_85 = arith.constant 0 : i32
    %dma_wait3A_86 = arith.constant 0 : i32
    %dma_wait3A_87 = arith.constant 0 : i32
    %dma_wait3A_88 = arith.constant 0 : i32
    %dma_wait3A_89 = tpu.memref_slice %arg11[%dma_wait3A_84, %dma_wait3A_86, %dma_wait3A_87, %dma_wait3A_88] : memref<2x8x8x512xf32, #tpu.memory_space<vmem>> -> memref<1x8x8x512xf32, #tpu.memory_space<vmem>>
    %dma_wait3A_90 = tpu.memref_squeeze %dma_wait3A_89 : memref<1x8x8x512xf32, #tpu.memory_space<vmem>> -> memref<8x8x512xf32, #tpu.memory_space<vmem>>
    %dma_wait3A_91 = arith.constant 1024 : i32
    %dma_wait3A_92 = tpu.memref_slice %arg6[%dma_wait3A_85, %mul3A_32, %add3A_83, %dma_wait3A_91] : memref<1x16x2048x2048xf32, #tpu.memory_space<hbm>> -> memref<1x8x8x512xf32, #tpu.memory_space<hbm>>
    %dma_wait3A_93 = tpu.memref_squeeze %dma_wait3A_92 : memref<1x8x8x512xf32, #tpu.memory_space<hbm>> -> memref<8x8x512xf32, #tpu.memory_space<hbm>>
    %dma_wait3A_94 = arith.constant 1024 : i32
    %dma_wait3A_95 = tpu.memref_slice %arg6[%dma_wait3A_85, %mul3A_32, %add3A_83, %dma_wait3A_94] : memref<1x16x2048x2048xf32, #tpu.memory_space<hbm>> -> memref<1x8x8x512xf32, #tpu.memory_space<hbm>>
    %dma_wait3A_96 = tpu.memref_squeeze %dma_wait3A_95 : memref<1x8x8x512xf32, #tpu.memory_space<hbm>> -> memref<8x8x512xf32, #tpu.memory_space<hbm>>
    %dma_wait3A_97 = arith.constant 0 : i32
    %dma_wait3A_98 = arith.constant 0 : i32
    %dma_wait3A_99 = arith.constant 0 : i32
    %dma_wait3A_100 = tpu.memref_slice %arg11[%dma_wait3A_84, %dma_wait3A_97, %dma_wait3A_98, %dma_wait3A_99] : memref<2x8x8x512xf32, #tpu.memory_space<vmem>> -> memref<1x8x8x512xf32, #tpu.memory_space<vmem>>
    %dma_wait3A_101 = tpu.memref_squeeze %dma_wait3A_100 : memref<1x8x8x512xf32, #tpu.memory_space<vmem>> -> memref<8x8x512xf32, #tpu.memory_space<vmem>>
    tpu.wait_dma2 semaphore(%arg14 : memref<!tpu.dma_semaphore, #tpu.memory_space<semaphore_mem>>) src(%dma_wait3A_101 : memref<8x8x512xf32, #tpu.memory_space<vmem>>) dst(%dma_wait3A_96 : memref<8x8x512xf32, #tpu.memory_space<hbm>>)
    %add3A_102 = arith.constant 120 : i32
    %add3A_103 = arith.addi %mul3A_34, %add3A_102 : i32
    %dma_wait3A_104 = arith.constant 1 : i32
    %dma_wait3A_105 = arith.constant 0 : i32
    %dma_wait3A_106 = arith.constant 0 : i32
    %dma_wait3A_107 = arith.constant 0 : i32
    %dma_wait3A_108 = arith.constant 0 : i32
    %dma_wait3A_109 = tpu.memref_slice %arg11[%dma_wait3A_104, %dma_wait3A_106, %dma_wait3A_107, %dma_wait3A_108] : memref<2x8x8x512xf32, #tpu.memory_space<vmem>> -> memref<1x8x8x512xf32, #tpu.memory_space<vmem>>
    %dma_wait3A_110 = tpu.memref_squeeze %dma_wait3A_109 : memref<1x8x8x512xf32, #tpu.memory_space<vmem>> -> memref<8x8x512xf32, #tpu.memory_space<vmem>>
    %dma_wait3A_111 = arith.constant 1536 : i32
    %dma_wait3A_112 = tpu.memref_slice %arg6[%dma_wait3A_105, %mul3A_32, %add3A_103, %dma_wait3A_111] : memref<1x16x2048x2048xf32, #tpu.memory_space<hbm>> -> memref<1x8x8x512xf32, #tpu.memory_space<hbm>>
    %dma_wait3A_113 = tpu.memref_squeeze %dma_wait3A_112 : memref<1x8x8x512xf32, #tpu.memory_space<hbm>> -> memref<8x8x512xf32, #tpu.memory_space<hbm>>
    %dma_wait3A_114 = arith.constant 1536 : i32
    %dma_wait3A_115 = tpu.memref_slice %arg6[%dma_wait3A_105, %mul3A_32, %add3A_103, %dma_wait3A_114] : memref<1x16x2048x2048xf32, #tpu.memory_space<hbm>> -> memref<1x8x8x512xf32, #tpu.memory_space<hbm>>
    %dma_wait3A_116 = tpu.memref_squeeze %dma_wait3A_115 : memref<1x8x8x512xf32, #tpu.memory_space<hbm>> -> memref<8x8x512xf32, #tpu.memory_space<hbm>>
    %dma_wait3A_117 = arith.constant 0 : i32
    %dma_wait3A_118 = arith.constant 0 : i32
    %dma_wait3A_119 = arith.constant 0 : i32
    %dma_wait3A_120 = tpu.memref_slice %arg11[%dma_wait3A_104, %dma_wait3A_117, %dma_wait3A_118, %dma_wait3A_119] : memref<2x8x8x512xf32, #tpu.memory_space<vmem>> -> memref<1x8x8x512xf32, #tpu.memory_space<vmem>>
    %dma_wait3A_121 = tpu.memref_squeeze %dma_wait3A_120 : memref<1x8x8x512xf32, #tpu.memory_space<vmem>> -> memref<8x8x512xf32, #tpu.memory_space<vmem>>
    tpu.wait_dma2 semaphore(%arg15 : memref<!tpu.dma_semaphore, #tpu.memory_space<semaphore_mem>>) src(%dma_wait3A_121 : memref<8x8x512xf32, #tpu.memory_space<vmem>>) dst(%dma_wait3A_116 : memref<8x8x512xf32, #tpu.memory_space<hbm>>)
    return
  }
}

</mosaic_0001>

<sc_bundles>
// kernel: _sc_gather.3.cloned.1.call-start
scs
__scs_entry_jumppad:
0x0: {  	(pc) =	sbr.rel $0x88, $3  }
0x1: {  	(tag) =	ssettag $0x0;
	lr =	simm.s32 $0x1  }
0x2: {  	[smem:$0x3F9D] =	sst lr;
	_ =	strace $0xD0000000  }
0x3: {  	_ = 	snop  }
0x4: {  	_ = 	snop  }
0x5: {  	_ = 	snop  }
0x6: {  	_ = 	snop  }
0x7: {  	_ = 	snop  }
__scs_overlays_trampoline_lowered:
0x8: {  	[smem:$0x3FAC] =	sst s0  }
0x9: {  	[smem:$0x3FAD] =	sst s1  }
0xa: {  	[smem:$0x3FAE] =	sst s2  }
0xb: {  	[smem:$0x3FAF] =	sst s3  }
0xc: {  	[smem:$0x3FB0] =	sst s4  }
0xd: {  	[smem:$0x3FB1] =	sst s5  }
0xe: {  	[smem:$0x3FB2] =	sst s6  }
0xf: {  	[smem:$0x3FB3] =	sst s7  }
0x10: {  	[smem:$0x3FB4] =	sst s8  }
0x11: {  	[smem:$0x3FB5] =	sst s9;
	s0 =	simm.s32 @!p0 $0x0  }
0x12: {  	s1 =	sld [smem:$0x3F9B];
	s0 =	simm.s32 @p0 $0x1  }
0x13: {  	[smem:$0x3FB6] =	sst s0;
	s0 =	simm.s32 @!p1 $0x0  }
0x14: {  	s2 =	sld [smem:$0x3F9A];
	s0 =	simm.s32 @p1 $0x1  }
0x15: {  	[smem:$0x3FB7] =	sst s0;
	s0 =	simm.s32 @!p2 $0x0  }
0x16: {  	s3 =	sld [smem:$0x3FDB];
	s0 =	simm.s32 @p2 $0x1  }
0x17: {  	s4 =	simm.s32 $0x1BF5;
	[smem:$0x3FB9] =	sst s0  }
0x18: {  	s0 =	sld [smem:$0x3F9C];
	_ =	swait.ge [sflag:s4], $0x0  }
0x19: {  	s7 =	sld [smem:$0x3F9D]  }
0x1a: {  	s8 =	sadd.s32 $0xFFFFE003, lr  }
0x1b: {  	s9 =	sadd.s32 $0xFFFFFEF7, lr;
	s5 =	simm.s32 $0xFFFFFFFF;
	p2 =	slt.u32 s8, $0xFFFFF086  }
0x1c: {  	p1 =	slt.u32 s9, $0xF7A;
	s5 =	simm.s32 @!p2 $0x0  }
0x1d: {  	s5 =	simm.s32 @p1 $0x1;
	p0 =	seq.s32 s7, s2  }
0x1e: {  	s7 =	smul.u32 @!p0 $0xF7A, s2;
	p2 =	seq.s32 @!p0 s5, $0x0  }
0x1f: {  	s9 =	smul.u32 $0xF7A, s1;
	s8 =	simm.s32 @!p0 $0x1BF5;
	p2 =	por !p2, p0  }
0x20: {  	[sflag:s8] =	ssyncset.s32 @!p0 $0xFFFFF086;
	s6 =	sadd.s32 @!p0 s3, s7;
	s7 =	simm.s32 @!p0 $0x108  }
0x21: {  	s3 =	sadd.s32 s3, s9;
	s6 =	sadd.s32 @!p0 $0x88, s6;
	s7 =	simm.s32 @p2 $0x1082  }
0x22: {  	[simem:s7], [sflag:s8] =	dma.local @!p0 [hbm:s6], $0xF7A  }
0x23: {  	s9 =	sor.u32 $0xD0000000, s2;
	s6 =	simm.s32 $0x108;
	_ =	swait.ge @!p0 [sflag:s8], $0x0  }
0x24: {  	s3 =	sadd.s32 $0x88, s3;
	s6 =	simm.s32 @!p1 $0x1082;
	[sflag:s4] =	ssyncset.s32 $0xFFFFF086  }
0x25: {  	[simem:s6], [sflag:s4] =	dma.local [hbm:s3], $0xF7A  }
0x26: {  	[smem:$0x3F9D] =	sst s1;
	(tag) =	ssettag s2;
	_ =	strace s9  }
0x27: {  	s1 =	sld [smem:$0x3FAD]  }
0x28: {  	s2 =	sld [smem:$0x3FAE]  }
0x29: {  	s4 =	sld [smem:$0x3FB0]  }
0x2a: {  	p0 =	seq.s32 s5, $0x0;
	s5 =	sld [smem:$0x3FB1]  }
0x2b: {  	s6 =	sld [smem:$0x3FB2]  }
0x2c: {  	s7 =	sld [smem:$0x3FB3]  }
0x2d: {  	s3 =	simm.s32 $0x108;
	s8 =	sld [smem:$0x3FB4]  }
0x2e: {  	s3 =	simm.s32 @!p0 $0x1082;
	s9 =	sld [smem:$0x3FB5]  }
0x2f: {  	lr =	sadd.s32 s0, s3;
	s0 =	sld [smem:$0x3FAC]  }
0x30: {  	s3 =	sld [smem:$0x3FAF]  }
0x31: {  	[smem:$0x3FB8] =	sst s10  }
0x32: {  	s10 =	sld [smem:$0x3FB6];
	_ =	sdelay $0x3  }
0x33: {  	p0 =	seq.s32 s10, $0x1;
	s10 =	sld [smem:$0x3FB8];
	_ =	sdelay $0x3  }
0x34: {  	[smem:$0x3FB8] =	sst s10  }
0x35: {  	s10 =	sld [smem:$0x3FB7];
	_ =	sdelay $0x3  }
0x36: {  	p1 =	seq.s32 s10, $0x1;
	s10 =	sld [smem:$0x3FB8];
	_ =	sdelay $0x3  }
0x37: {  	[smem:$0x3FB8] =	sst s10  }
0x38: {  	s10 =	sld [smem:$0x3FB9]  }
0x39: {  	_ = 	snop;
	(pc) =	sbr.ind lr, $3  }
0x3a: {  	_ = 	snop  }
0x3b: {  	_ = 	snop  }
0x3c: {  	p2 =	seq.s32 s10, $0x1;
	s10 =	sld [smem:$0x3FB8]  }
0x3d: {  	_ =	shalt  }
0x3e: {  	_ =	shalt  }
0x3f: {  	_ =	shalt  }
0x40: {  	_ =	shalt  }
0x41: {  	_ =	shalt  }
0x42: {  	_ =	shalt  }
0x43: {  	_ =	shalt  }
0x44: {  	_ =	shalt  }
0x45: {  	_ =	shalt  }
0x46: {  	_ =	shalt  }
0x47: {  	_ =	shalt  }
0x48: {  	_ =	shalt  }
0x49: {  	_ =	shalt  }
0x4a: {  	_ =	shalt  }
0x4b: {  	_ =	shalt  }
0x4c: {  	_ =	shalt  }
0x4d: {  	_ =	shalt  }
0x4e: {  	_ =	shalt  }
0x4f: {  	_ =	shalt  }
0x50: {  	_ =	shalt  }
0x51: {  	_ =	shalt  }
0x52: {  	_ =	shalt  }
0x53: {  	_ =	shalt  }
0x54: {  	_ =	shalt  }
0x55: {  	_ =	shalt  }
0x56: {  	_ =	shalt  }
0x57: {  	_ =	shalt  }
0x58: {  	_ =	shalt  }
0x59: {  	_ =	shalt  }
0x5a: {  	_ =	shalt  }
0x5b: {  	_ =	shalt  }
0x5c: {  	_ =	shalt  }
0x5d: {  	_ =	shalt  }
0x5e: {  	_ =	shalt  }
0x5f: {  	_ =	shalt  }
0x60: {  	_ =	shalt  }
0x61: {  	_ =	shalt  }
0x62: {  	_ =	shalt  }
0x63: {  	_ =	shalt  }
0x64: {  	_ =	shalt  }
0x65: {  	_ =	shalt  }
0x66: {  	_ =	shalt  }
0x67: {  	_ =	shalt  }
0x68: {  	_ =	shalt  }
0x69: {  	_ =	shalt  }
0x6a: {  	_ =	shalt  }
0x6b: {  	_ =	shalt  }
0x6c: {  	_ =	shalt  }
0x6d: {  	_ =	shalt  }
0x6e: {  	_ =	shalt  }
0x6f: {  	_ =	shalt  }
0x70: {  	_ =	shalt  }
0x71: {  	_ =	shalt  }
0x72: {  	_ =	shalt  }
0x73: {  	_ =	shalt  }
0x74: {  	_ =	shalt  }
0x75: {  	_ =	shalt  }
0x76: {  	_ =	shalt  }
0x77: {  	_ =	shalt  }
0x78: {  	_ =	shalt  }
0x79: {  	_ =	shalt  }
0x7a: {  	_ =	shalt  }
0x7b: {  	_ =	shalt  }
0x7c: {  	_ =	shalt  }
0x7d: {  	_ =	shalt  }
0x7e: {  	_ =	shalt  }
0x7f: {  	_ =	shalt  }
0x80: {  	_ =	shalt  }
0x81: {  	_ =	shalt  }
0x82: {  	_ =	shalt  }
0x83: {  	_ =	shalt  }
0x84: {  	_ =	shalt  }
0x85: {  	_ =	shalt  }
0x86: {  	_ =	shalt  }
0x87: {  	_ =	shalt  }
.Lfunc_end0:
.L_simem_size_0:
called_computation_lowered:
.L_overlay_start_0:
0x88: {  	s2 =	sld [smem:$0x3FD9]  }
0x89: {  	s3 =	sld [smem:$0x3FFE];
	_ =	sdelay $0x1  }
0x8a: {  	s1 =	srdreg.scid  }
0x8b: {  	s0 =	sand.u32 $0x1, s1  }
0x8c: {  	s18 =	sshll.u32 s0, $0xA;
	s2 =	sadd.s32 s3, s2  }
0x8d: {  	s2 =	sadd.s32 s2, s18  }
0x8e: {  	[smem:$0x3FC4] =	sst s2  }
0x8f: {  	_ = 	snop  }
0x90: {  	s2 =	sld [smem:$0x3FC9]  }
0x91: {  	s19 =	sld [smem:$0x3FC8]  }
0x92: {  	s4 =	sld [smem:$0x3FC7]  }
0x93: {  	s5 =	sld [smem:$0x3FC6]  }
0x94: {  	s6 =	sld [smem:$0x3FD0];
	(tm) =	ssettm $0x1  }
0x95: {  	s7 =	sld [smem:$0x3FFB];
	_ =	sdelay $0x3  }
0x96: {  	_ =	strace s7  }
0x97: {  	s7 =	sld [smem:$0x3FFC];
	_ =	sdelay $0x3  }
0x98: {  	_ =	strace s7  }
0x99: {  	s7 =	sld [smem:$0x3FFD];
	_ =	sdelay $0x3  }
0x9a: {  	_ =	strace s7  }
0x9b: {  	_ =	strace $0x8FFFFFFF  }
0x9c: {  	s20 =	sld [smem:$0x3FDB];
	_ =	sdelay $0x1  }
0x9d: {  	s8 =	simm.s32 $_scs_section_size  }
0x9e: {  	s9 =	simm.s32 $_size__tile_overlayer_lowered;
	s10 =	simm.s32 $_tile_overlayer_lowered  }
0x9f: {  	s23 =	simm.s32 $0x1BFF;
	s22 =	sshll.u32 s10, $0x1;
	s7 =	sadd.s32 s8, s20  }
0xa0: {  	s11 =	simm.s32 $0x0;
	s21 =	sshll.u32 s9, $0x1;
	s9 =	sadd.s32 s22, s7  }
0xa1: {  	[timem:s11], [sflag:s23] =	dma.local [hbm:s9], s21  }
0xa2: {  	_ =	swait.ge [sflag:s23], s21  }
0xa3: {  	s8 =	ssub.s32 $0x0, s21;
	[sflag:s23] =	ssyncset.done $0x0  }
0xa4: {  	[sflag:s23] =	ssyncadd.s32 s8;
	_ =	sdelay $0x1  }
0xa5: {  	s24 =	simm.s32 $0x1B8B  }
0xa6: {  	_ =	swait.ge [sflag:s24], $0x1  }
0xa7: {  	[sflag:s24] =	ssyncset.done $0x0  }
0xa8: {  	s25 =	simm.s32 $0x1B8E;
	[sflag:s24] =	ssyncadd.s32 $0xFFFFFFFF  }
0xa9: {  	s26 =	simm.s32 $execute0_lowered;
	[smem:$0x3FD2] =	sst s25  }
0xaa: {  	s8 =	sshll.u32 s26, $0x1;
	_ =	strace $0x80000046;
	[dreg:$0x1] =	wrdreg $0xFFFFFFFF  }
0xab: {  	s28 =	simm.s32 $_size_execute0_lowered;
	s7 =	sadd.s32 s7, s8;
	[dreg:$0x0] =	wrdreg $0x0  }
0xac: {  	s8 =	sshll.u32 s28, $0x1;
	[dreg:$0x2] =	wrdreg s7  }
0xad: {  	[dreg:$0x3] =	wrdreg s8  }
0xae: {  	[dreg:$0x4] =	wrdreg $0xC0  }
0xaf: {  	_ =	task [dreg:s11], $0x5FFFF  }
0xb0: {  	[dreg:$0x1] =	wrdreg $0xFFFFFFFF  }
0xb1: {  	[dreg:$0x0] =	wrdreg $0x60  }
0xb2: {  	[dreg:$0x2] =	wrdreg s2  }
0xb3: {  	[dreg:$0x3] =	wrdreg s19  }
0xb4: {  	[dreg:$0x4] =	wrdreg s4  }
0xb5: {  	[dreg:$0x5] =	wrdreg s5  }
0xb6: {  	[dreg:$0x6] =	wrdreg s6  }
0xb7: {  	[dreg:$0x7] =	wrdreg $0x9  }
0xb8: {  	_ =	task.clear_ibuf [dreg:s11], $0x8FFFF;
	_ =	strace $0x90000046  }
0xb9: {  	s29 =	simm.s32 $0x9;
	_ =	strace $0x80000048  }
0xba: {  	_ =	swait.ge [sflag:s29], $0x1  }
0xbb: {  	[sflag:s29] =	ssyncadd.s32 $0xFFFFFFFF  }
0xbc: {  	_ =	strace $0x90000048  }
0xbd: {  	_ =	sfence  }
0xbe: {  	s30 =	sld [smem:$0x0];
	_ =	sdelay $0x2  }
0xbf: {  	s31 =	sshll.u32 s1, $0xD;
	s1 =	sshrl.u32 s1, $0x2  }
0xc0: {  	s3 =	sand.u32 $0x4000, s31;
	s1 =	sadd.s32 s1, s30  }
0xc1: {  	s0 =	sor.u32 s3, s0;
	s1 =	sshll.u32 s1, $0x11  }
0xc2: {  	s0 =	sor.u32 s1, s0  }
0xc3: {  	s0 =	sadd.s32 $0x8F2B, s0  }
0xc4: {  	[sflag:s0] =	ssyncadd.remote.s32 $0x1  }
0xc5: {  	_ =	sfence.sel $0xFFFF  }
0xc6: {  	[dreg:$0x0] =	wrdreg $0xFFFFFFFF;
	(pc) =	sbr.abs _section_cstart, $3  }
0xc7: {  	[dreg:$0x1] =	wrdreg $0xFFFFFFFF  }
0xc8: {  	_ =	task.clear_ibuf [dreg:s11], $0x2FFFF;
	_ =	strace $0x9FFFFFFF  }
0xc9: {  	(tm) =	ssettm $0x7FFFFFFF  }
tec
execute0_lowered:
.L_overlay_start_1:
0x0: {  	(tag) =	ssettag $0x1  }
0x1: {  	s1 =	rddreg [dreg:$0x0]  }
0x2: {  	s0 =	srdreg.scid;
	s4 =	rddreg [dreg:$0x3]  }
0x3: {  	s7 =	stileid.u32;
	s5 =	rddreg [dreg:$0x4]  }
0x4: {  	s6 =	simm.s32 $0x0;
	s16 =	simm.s32 $0xA400;
	s18 =	simm.s32 $0x5  }
0x5: {  	s19 =	simm.s32 $0x8C00;
	s20 =	simm.s32 $0x3;
	s21 =	simm.s32 $0x1000  }
0x6: {  	s22 =	simm.s32 $0x400000;
	s23 =	simm.s32 $0xB400;
	s0 =	sand.u32 $0x1, s0  }
0x7: {  	s24 =	simm.s32 $0x2;
	s25 =	simm.s32 $0x13400;
	s2 =	sor.u32 s0, s7  }
0x8: {  	s26 =	simm.s32 $0x4;
	p0 =	seq.s32 s0, $0x1;
	p1 =	seq.s32 s2, $0x0  }
0x9: {  	s28 =	simm.s32 $0x0;
	[smem:$0x7FF] =	sst s6;
	p0 =	por !p1, !p0  }
0xa: {  	s3 =	ssub.s32 $0x2, s0;
	s2 =	simm.s32 $0x1;
	p0 =	por !p0, !p0  }
0xb: {  	s9 =	smul.u32 $0x1080, s0;
	s29 =	sshrl.u32 s3, $0x1;
	s2 =	simm.s32 @!p0 $0x0  }
0xc: {  	_ =	strace $0x80000047;
	s3 =	ssub.s32 s3, s29;
	s2 =	ssub.s32 s7, s2  }
.Ltmp0:
0xd: {  	s1 =	sadd.s32 s1, s9;
	s8 =	sshll.u32 s2, $0xF;
	(pc) =	sbr.rel .LBB2_1-.Ltmp0, $4  }
0xe: {  	[dreg:$0x7] =	wrdreg s1;
	s31 =	smax.u32 s3, $0x1;
	s10 =	sand.u32 $0x1FFF8000, s8  }
0xf: {  	[dreg:$0x9] =	wrdreg s31;
	s8 =	sshll.u32 s0, $0x19;
	s30 =	sadd.s32 s4, s10  }
0x10: {  	s10 =	sshll.u32 s2, $0x7;
	[dreg:$0x6] =	wrdreg s30;
	s0 =	sadd.s32 $0x200, s30  }
0x11: {  	s7 =	simm.s32 $0x1;
	s13 =	sshrl.u32 s10, $0x3;
	[dreg:$0x8] =	wrdreg s0  }
.LBB2_12:
0x12: {  	_ =	swait.ge [sflag:s20], $0x8000  }
0x13: {  	[sflag:s20] =	ssyncset.done $0x0  }
0x14: {  	[sflag:s20] =	ssyncadd.s32 $0xFFFF8000  }
0x15: {  	_ =	swait.ge [sflag:s26], $0x8000  }
0x16: {  	s28 =	sadd.s32 $0x1, s28;
	s0 =	rddreg [dreg:$0x9]  }
0x17: {  	p0 =	sne.s32 s28, s0  }
.Ltmp1:
0x18: {  	_ = 	snop;
	(pc) =	sbr.rel @!p0 .LBB2_13-.Ltmp1, $3  }
0x19: {  	_ =	sdelay $0x1  }
0x1a: {  	[sflag:s26] =	ssyncset.done $0x0  }
0x1b: {  	[sflag:s26] =	ssyncadd.s32 $0xFFFF8000  }
.LBB2_1:
0x1c: {  	s0 =	rddreg [dreg:$0x7]  }
0x1d: {  	[tilespmem:s6], [sflag:$0x3] =	stream.linear.gather [hbm4b:s0+s6], $0x8400, $0x38;
	[tilespmem:$0x1B400] =	vst v63  }
0x1e: {  	s14 =	rddreg [dreg:$0x6];
	s1 =	simm.s32 $0x9400  }
0x1f: {  	[tilespmem:s1], [sflag:$0x1] =	stream.linear.gather [hbm4b:s14+s6], $0x1000, $0x38;
	[tilespmem:$0x1B400] =	vst v63  }
0x20: {  	s15 =	rddreg [dreg:$0x8]  }
0x21: {  	[tilespmem:s16], [sflag:$0x2] =	stream.linear.gather [hbm4b:s15+s6], $0x1000, $0x38;
	[tilespmem:$0x1B400] =	vst v63  }
0x22: {  	s17 =	rddreg [dreg:$0x2];
	s30 =	simm.s32 $0x8400  }
0x23: {  	[tilespmem:s30], [sflag:$0x5] =	stream.linear.gather [hbm4b:s17+s6], $0x800, $0x38;
	[tilespmem:$0x1B400] =	vst v63  }
0x24: {  	_ =	swait.ge [sflag:s18], $0x800  }
0x25: {  	[sflag:s18] =	ssyncset.done $0x0  }
0x26: {  	[sflag:s18] =	ssyncadd.s32 $0xFFFFF800  }
0x27: {  	s31 =	rddreg [dreg:$0x1]  }
0x28: {  	[tilespmem:s19], [sflag:$0x5] =	stream.linear.gather [hbm4b:s31+s6], $0x800, $0x38;
	[tilespmem:$0x1B400] =	vst v63  }
0x29: {  	_ =	swait.ge [sflag:s18], $0x800  }
0x2a: {  	[sflag:s18] =	ssyncset.done $0x0  }
0x2b: {  	[sflag:s18] =	ssyncadd.s32 $0xFFFFF800  }
0x2c: {  	_ =	swait.ge [sflag:s20], $0x8400  }
0x2d: {  	[sflag:s20] =	ssyncset.done $0x0  }
0x2e: {  	p0 =	por $0x0, $0x0;
	s29 =	simm.s32 $0x0;
	[sflag:s20] =	ssyncadd.s32 $0xFFFF7C00  }
.LBB2_2:
0x2f: {  	p1 =	seq.s32 s29, $0x0  }
0x30: {  	s0 =	simm.s32 $0x1;
	s2 =	simm.s32 @!p1 $0x3  }
0x31: {  	s30 =	sshll.u32 s29, $0x1;
	s0 =	simm.s32 @!p0 $0x0;
	_ =	swait.ge @!p1 [sflag:s2], $0x8000  }
0x32: {  	s15 =	sshll.u32 s29, $0x2;
	s0 =	sshll.u32 s0, $0xA;
	[sflag:s2] =	ssyncset.done @!p1 $0x0  }
0x33: {  	s17 =	sshll.u32 s29, $0xA;
	s31 =	sadd.s32 $0x8670, s0;
	[sflag:s2] =	ssyncadd.s32 @!p1 $0xFFFF8000  }
0x34: {  	s1 =	sadd.s32 $0x8440, s0;
	s0 =	sand.u32 $0x78, s15;
	_ =	swait.ge [sflag:s7], $0x1000  }
0x35: {  	s15 =	simm.s32 $0x0;
	s3 =	sor.u32 s10, s0;
	[sflag:s7] =	ssyncset.done $0x0  }
0x36: {  	s0 =	sand.u32 $0x400, s17;
	s2 =	simm.s32 $0x0;
	[sflag:s7] =	ssyncadd.s32 $0xFFFFF000  }
.LBB2_3:
0x37: {  	s9 =	sor.u32 s3, s15  }
0x38: {  	v0 =	vmov s9;
	_ =	sdelay $0x3  }
0x39: {  	v1 =	vld [tilespmem:s1+$0x30]  }
0x3a: {  	s17 =	sshra.s32 s2, $0x2;
	v0 =	vld.idx.msk [tilespmem:v0+s19+$0x0], $0xffff  }
0x3b: {  	v2 =	vld [tilespmem:s17+$0x9470]  }
0x3c: {  	v10 =	vld [tilespmem:s1+$0xFFFFFFD0]  }
0x3d: {  	v11 =	vld [tilespmem:s1+$0xFFFFFFF0]  }
0x3e: {  	v3 =	vld [tilespmem:s17+$0x9400]  }
0x3f: {  	v4 =	vld [tilespmem:s17+$0x9410];
	v0 =	vsub.s32 $0x7FF, v0  }
0x40: {  	v6 =	vld [tilespmem:s17+$0x9420];
	vm0 =	veq.s32 v2, $0x0;
	v2 =	vadd.s32 $0xFFE, v2;
	v1 =	vadd.s32 v0, v1  }
0x41: {  	v7 =	vld [tilespmem:s17+$0x9430];
	v1 =	vsel vm0, v1, v2  }
0x42: {  	v8 =	vld [tilespmem:s17+$0x9440];
	v5 =	vshll.u32 v1, $0x3  }
0x43: {  	v9 =	vld [tilespmem:s17+$0x9460];
	v1 =	vand.u32 $0x7F, v1;
	v5 =	vand.u32 $0xFFFFFC00, v5  }
0x44: {  	vm15 =	veq.s32 v3, $0x0;
	v2 =	vld [tilespmem:s17+$0x9450];
	v5 =	vor.u32 v1, v5  }
0x45: {  	v3 =	vadd.s32 $0xFFE, v3;
	vm1 =	veq.s32 v4, $0x0;
	v4 =	vadd.s32 $0xFFE, v4;
	v1 =	vld [tilespmem:s1+$0xFFFFFFE0]  }
0x46: {  	v12 =	vld [tilespmem:s1+$0x0];
	vm2 =	veq.s32 v6, $0x0;
	v6 =	vadd.s32 $0xFFE, v6;
	vm3 =	veq.s32 v7, $0x0  }
0x47: {  	v13 =	vld [tilespmem:s1+$0x10];
	v7 =	vadd.s32 $0xFFE, v7;
	vm4 =	veq.s32 v8, $0x0;
	v10 =	vadd.s32 v0, v10  }
0x48: {  	v15 =	vld [tilespmem:s1+$0xFFFFFFC0];
	v8 =	vadd.s32 $0xFFE, v8;
	vm6 =	veq.s32 v9, $0x0;
	v4 =	vsel vm1, v10, v4  }
0x49: {  	v9 =	vadd.s32 $0xFFE, v9;
	v17 =	vshll.u32 v4, $0x3;
	v4 =	vand.u32 $0x7F, v4;
	v14 =	vld.idx.msk [tilespmem:v5+s6+$0x0], $0xffff  }
0x4a: {  	v16 =	vld [tilespmem:s1+$0x20];
	v10 =	vor.u32 $0x80, v5;
	vm5 =	veq.s32 v2, $0x0;
	v1 =	vadd.s32 v0, v1  }
0x4b: {  	v2 =	vadd.s32 $0xFFE, v2;
	v6 =	vsel vm2, v1, v6;
	v1 =	vadd.s32 v0, v11  }
0x4c: {  	v11 =	vadd.s32 v0, v12;
	v7 =	vsel vm3, v1, v7;
	v12 =	vshll.u32 v6, $0x3  }
0x4d: {  	v8 =	vsel vm4, v11, v8;
	v1 =	vadd.s32 v0, v13;
	v13 =	vadd.s32 v0, v15  }
0x4e: {  	v15 =	vor.u32 $0x100, v5;
	[tilespmem:s17+$0xB470] =	vst v14;
	v14 =	vsel vm5, v1, v2;
	v2 =	vsel vm15, v13, v3  }
0x4f: {  	v6 =	vand.u32 $0x7F, v6;
	v1 =	vadd.s32 v0, v16;
	v10 =	vld.idx.msk [tilespmem:v10+s6+$0x0], $0xffff;
	v3 =	vshll.u32 v2, $0x3  }
0x50: {  	v9 =	vsel vm6, v1, v9;
	v2 =	vand.u32 $0x7F, v2;
	v1 =	vand.u32 $0xFFFFFC00, v3  }
0x51: {  	v11 =	vshll.u32 v7, $0x3;
	v3 =	vand.u32 $0xFFFFFC00, v17;
	v1 =	vor.u32 v2, v1  }
0x52: {  	v7 =	vand.u32 $0x7F, v7;
	v2 =	vand.u32 $0xFFFFFC00, v12;
	v3 =	vor.u32 v4, v3  }
0x53: {  	v13 =	vshll.u32 v8, $0x3;
	v4 =	vand.u32 $0xFFFFFC00, v11;
	v2 =	vor.u32 v6, v2  }
0x54: {  	v8 =	vand.u32 $0x7F, v8;
	v11 =	vand.u32 $0xFFFFFC00, v13;
	v4 =	vor.u32 v7, v4;
	[tilespmem:s17+$0xC470] =	vst v10  }
0x55: {  	v12 =	vor.u32 $0x180, v5;
	v6 =	vshll.u32 v14, $0x3;
	v11 =	vor.u32 v8, v11;
	v7 =	vld.idx.msk [tilespmem:v15+s6+$0x0], $0xffff  }
0x56: {  	v13 =	vand.u32 $0x7F, v14;
	v6 =	vand.u32 $0xFFFFFC00, v6;
	v10 =	vshll.u32 v9, $0x3;
	v8 =	vld.idx.msk [tilespmem:v1+s6+$0x0], $0xffff  }
0x57: {  	v9 =	vand.u32 $0x7F, v9;
	v14 =	vor.u32 v13, v6;
	v10 =	vand.u32 $0xFFFFFC00, v10;
	v6 =	vld.idx.msk [tilespmem:v3+s6+$0x0], $0xffff  }
0x58: {  	v15 =	vor.u32 v9, v10;
	v9 =	vld.idx.msk [tilespmem:v2+s6+$0x0], $0xffff  }
0x59: {  	v10 =	vor.u32 $0x80, v1;
	v13 =	vld.idx.msk [tilespmem:v4+s6+$0x0], $0xffff  }
0x5a: {  	v16 =	vor.u32 $0x80, v2;
	v17 =	vld.idx.msk [tilespmem:v11+s6+$0x0], $0xffff;
	[tilespmem:s17+$0xD470] =	vst v7  }
0x5b: {  	v7 =	vor.u32 $0x80, v3;
	v12 =	vld.idx.msk [tilespmem:v12+s6+$0x0], $0xffff  }
0x5c: {  	v19 =	vor.u32 $0x80, v4;
	[tilespmem:s17+$0xB400] =	vst v8;
	v8 =	vld.idx.msk [tilespmem:v14+s6+$0x0], $0xffff  }
0x5d: {  	v20 =	vor.u32 $0x80, v11;
	[tilespmem:s17+$0xB410] =	vst v6;
	v6 =	vld.idx.msk [tilespmem:v15+s6+$0x0], $0xffff  }
0x5e: {  	v18 =	vor.u32 $0x200, v5;
	v10 =	vld.idx.msk [tilespmem:v10+s6+$0x0], $0xffff;
	[tilespmem:s17+$0xB420] =	vst v9  }
0x5f: {  	v9 =	vor.u32 $0x80, v14;
	[tilespmem:s17+$0xB430] =	vst v13;
	v16 =	vld.idx.msk [tilespmem:v16+s6+$0x0], $0xffff  }
0x60: {  	v13 =	vor.u32 $0x80, v15;
	[tilespmem:s17+$0xB440] =	vst v17;
	v7 =	vld.idx.msk [tilespmem:v7+s6+$0x0], $0xffff  }
0x61: {  	v19 =	vld.idx.msk [tilespmem:v19+s6+$0x0], $0xffff;
	[tilespmem:s17+$0xE470] =	vst v12;
	v12 =	vor.u32 $0x100, v1  }
0x62: {  	[tilespmem:s17+$0xB450] =	vst v8;
	v8 =	vld.idx.msk [tilespmem:v20+s6+$0x0], $0xffff;
	v20 =	vor.u32 $0x100, v2  }
0x63: {  	[tilespmem:s17+$0xB460] =	vst v6;
	v17 =	vld.idx.msk [tilespmem:v18+s6+$0x0], $0xffff;
	v18 =	vor.u32 $0x100, v3  }
0x64: {  	[tilespmem:s17+$0xC400] =	vst v10;
	v9 =	vld.idx.msk [tilespmem:v9+s6+$0x0], $0xffff;
	v10 =	vor.u32 $0x100, v4  }
0x65: {  	v6 =	vor.u32 $0x280, v5;
	[tilespmem:s17+$0xC410] =	vst v7;
	v7 =	vld.idx.msk [tilespmem:v13+s6+$0x0], $0xffff  }
0x66: {  	[tilespmem:s17+$0xC420] =	vst v16;
	v13 =	vor.u32 $0x100, v11;
	v12 =	vld.idx.msk [tilespmem:v12+s6+$0x0], $0xffff  }
0x67: {  	v16 =	vor.u32 $0x100, v14;
	[tilespmem:s17+$0xC430] =	vst v19;
	v20 =	vld.idx.msk [tilespmem:v20+s6+$0x0], $0xffff  }
0x68: {  	v18 =	vld.idx.msk [tilespmem:v18+s6+$0x0], $0xffff;
	[tilespmem:s17+$0xF470] =	vst v17;
	v17 =	vor.u32 $0x100, v15  }
0x69: {  	v19 =	vor.u32 $0x180, v1;
	[tilespmem:s17+$0xC440] =	vst v8;
	v8 =	vld.idx.msk [tilespmem:v10+s6+$0x0], $0xffff  }
0x6a: {  	[tilespmem:s17+$0xC450] =	vst v9;
	v10 =	vor.u32 $0x180, v3;
	v6 =	vld.idx.msk [tilespmem:v6+s6+$0x0], $0xffff  }
0x6b: {  	v9 =	vor.u32 $0x300, v5;
	v13 =	vld.idx.msk [tilespmem:v13+s6+$0x0], $0xffff;
	[tilespmem:s17+$0xC460] =	vst v7  }
0x6c: {  	v7 =	vor.u32 $0x180, v2;
	[tilespmem:s17+$0xD400] =	vst v12;
	v12 =	vld.idx.msk [tilespmem:v16+s6+$0x0], $0xffff  }
0x6d: {  	v16 =	vor.u32 $0x180, v4;
	[tilespmem:s17+$0xD420] =	vst v20;
	v17 =	vld.idx.msk [tilespmem:v17+s6+$0x0], $0xffff  }
0x6e: {  	[tilespmem:s17+$0xD410] =	vst v18;
	v18 =	vor.u32 $0x180, v11;
	v19 =	vld.idx.msk [tilespmem:v19+s6+$0x0], $0xffff  }
0x6f: {  	[tilespmem:s17+$0x10470] =	vst v6;
	v6 =	vor.u32 $0x180, v14;
	v10 =	vld.idx.msk [tilespmem:v10+s6+$0x0], $0xffff  }
0x70: {  	v20 =	vor.u32 $0x180, v15;
	[tilespmem:s17+$0xD430] =	vst v8;
	v9 =	vld.idx.msk [tilespmem:v9+s6+$0x0], $0xffff  }
0x71: {  	v8 =	vor.u32 $0x200, v1;
	v7 =	vld.idx.msk [tilespmem:v7+s6+$0x0], $0xffff;
	[tilespmem:s17+$0xD440] =	vst v13  }
0x72: {  	v5 =	vor.u32 $0x380, v5;
	v13 =	vld.idx.msk [tilespmem:v16+s6+$0x0], $0xffff;
	[tilespmem:s17+$0xD450] =	vst v12  }
0x73: {  	v12 =	vor.u32 $0x200, v3;
	v16 =	vld.idx.msk [tilespmem:v18+s6+$0x0], $0xffff;
	[tilespmem:s17+$0xD460] =	vst v17  }
0x74: {  	v17 =	vor.u32 $0x200, v2;
	[tilespmem:s17+$0xE400] =	vst v19;
	v6 =	vld.idx.msk [tilespmem:v6+s6+$0x0], $0xffff  }
0x75: {  	v18 =	vor.u32 $0x200, v4;
	v19 =	vld.idx.msk [tilespmem:v20+s6+$0x0], $0xffff;
	[tilespmem:s17+$0xE410] =	vst v10  }
0x76: {  	v8 =	vld.idx.msk [tilespmem:v8+s6+$0x0], $0xffff;
	[tilespmem:s17+$0x11470] =	vst v9;
	v9 =	vor.u32 $0x200, v11  }
0x77: {  	v10 =	vor.u32 $0x200, v14;
	v5 =	vld.idx.msk [tilespmem:v5+s6+$0x0], $0xffff;
	[tilespmem:s17+$0xE420] =	vst v7  }
0x78: {  	v7 =	vor.u32 $0x200, v15;
	v12 =	vld.idx.msk [tilespmem:v12+s6+$0x0], $0xffff;
	[tilespmem:s17+$0xE430] =	vst v13  }
0x79: {  	v13 =	vor.u32 $0x280, v1;
	v17 =	vld.idx.msk [tilespmem:v17+s6+$0x0], $0xffff;
	[tilespmem:s17+$0xE440] =	vst v16  }
0x7a: {  	v16 =	vor.u32 $0x280, v3;
	v18 =	vld.idx.msk [tilespmem:v18+s6+$0x0], $0xffff;
	[tilespmem:s17+$0xE450] =	vst v6  }
0x7b: {  	v6 =	vor.u32 $0x280, v2;
	[tilespmem:s17+$0xE460] =	vst v19;
	v9 =	vld.idx.msk [tilespmem:v9+s6+$0x0], $0xffff  }
0x7c: {  	v19 =	vor.u32 $0x280, v4;
	[tilespmem:s17+$0xF400] =	vst v8;
	v10 =	vld.idx.msk [tilespmem:v10+s6+$0x0], $0xffff  }
0x7d: {  	[tilespmem:s17+$0x12470] =	vst v5;
	v5 =	vor.u32 $0x280, v11;
	v7 =	vld.idx.msk [tilespmem:v7+s6+$0x0], $0xffff  }
0x7e: {  	v8 =	vor.u32 $0x280, v14;
	v20 =	vld.idx.msk [tilespmem:v13+s6+$0x0], $0xffff;
	[tilespmem:s17+$0xF410] =	vst v12  }
0x7f: {  	v21 =	vor.u32 $0x280, v15;
	v22 =	vld.idx.msk [tilespmem:v16+s6+$0x0], $0xffff;
	[tilespmem:s17+$0xF420] =	vst v17  }
0x80: {  	v23 =	vor.u32 $0x300, v1;
	[tilespmem:s17+$0xF430] =	vst v18;
	v24 =	vld.idx.msk [tilespmem:v6+s6+$0x0], $0xffff  }
0x81: {  	v25 =	vor.u32 $0x300, v3;
	v16 =	vld.idx.msk [tilespmem:v19+s6+$0x0], $0xffff;
	[tilespmem:s17+$0xF440] =	vst v9  }
0x82: {  	[tilespmem:s17+$0xF450] =	vst v10;
	v17 =	vld.idx.msk [tilespmem:v5+s6+$0x0], $0xffff  }
0x83: {  	v13 =	vor.u32 $0x300, v2;
	v12 =	vor.u32 $0x300, v4;
	v6 =	vor.u32 $0x380, v2;
	v18 =	vld.idx.msk [tilespmem:v8+s6+$0x0], $0xffff;
	[tilespmem:s17+$0xF460] =	vst v7  }
0x84: {  	v2 =	vor.u32 $0x380, v14;
	v9 =	vor.u32 $0x300, v11;
	v10 =	vor.u32 $0x300, v15;
	[tilespmem:s17+$0x10400] =	vst v20;
	v19 =	vld.idx.msk [tilespmem:v21+s6+$0x0], $0xffff  }
0x85: {  	v8 =	vor.u32 $0x300, v14;
	v7 =	vor.u32 $0x380, v1;
	v5 =	vor.u32 $0x380, v3;
	v20 =	vld.idx.msk [tilespmem:v23+s6+$0x0], $0xffff;
	[tilespmem:s17+$0x10410] =	vst v22  }
0x86: {  	s11 =	simm.s32 $0x0;
	s12 =	sadd.s32 $0x1000, s2;
	s14 =	sadd.s32 $0x80, s1;
	v3 =	vor.u32 $0x380, v4;
	v4 =	vor.u32 $0x380, v11;
	v1 =	vor.u32 $0x380, v15;
	v11 =	vld.idx.msk [tilespmem:v25+s6+$0x0], $0xffff;
	[tilespmem:s17+$0x10420] =	vst v24  }
.LBB2_4:
0x87: {  	s9 =	sshra.s32 s12, $0x2;
	v14 =	vld [tilespmem:s14+$0x30];
	s11 =	sadd.s32 $0x8, s11;
	[tilespmem:s17+$0x10430] =	vst v16  }
0x88: {  	v15 =	vld [tilespmem:s9+$0x9470];
	p1 =	slt.u32 s11, $0x18;
	[tilespmem:s17+$0x10440] =	vst v17  }
0x89: {  	v16 =	vld [tilespmem:s9+$0x9400];
	[tilespmem:s17+$0x10450] =	vst v18  }
0x8a: {  	v17 =	vld [tilespmem:s9+$0x9410];
	[tilespmem:s17+$0x10460] =	vst v19  }
0x8b: {  	v18 =	vld [tilespmem:s9+$0x9420];
	[tilespmem:s17+$0x11400] =	vst v20  }
0x8c: {  	v19 =	vld [tilespmem:s9+$0x9430];
	[tilespmem:s17+$0x11410] =	vst v11  }
0x8d: {  	v11 =	vadd.s32 v0, v14;
	v20 =	vld [tilespmem:s9+$0x9440];
	vm1 =	veq.s32 v15, $0x0;
	v14 =	vadd.s32 $0xFFE, v15  }
0x8e: {  	vm0 =	veq.s32 v16, $0x0;
	v15 =	vadd.s32 $0xFFE, v16;
	v16 =	vld [tilespmem:s9+$0x9450];
	v11 =	vsel vm1, v11, v14  }
0x8f: {  	vm1 =	veq.s32 v17, $0x0;
	v14 =	vadd.s32 $0xFFE, v17;
	v17 =	vld [tilespmem:s9+$0x9460];
	v21 =	vshll.u32 v11, $0x3  }
0x90: {  	v11 =	vand.u32 $0x7F, v11;
	v22 =	vld [tilespmem:s14+$0xFFFFFFD0];
	vm2 =	veq.s32 v18, $0x0;
	v21 =	vand.u32 $0xFFFFFC00, v21  }
0x91: {  	v18 =	vadd.s32 $0xFFE, v18;
	v23 =	vld [tilespmem:s14+$0xFFFFFFE0];
	vm3 =	veq.s32 v19, $0x0;
	v11 =	vor.u32 v11, v21  }
0x92: {  	v19 =	vadd.s32 $0xFFE, v19;
	v21 =	vld [tilespmem:s14+$0xFFFFFFF0];
	vm4 =	veq.s32 v20, $0x0;
	v20 =	vadd.s32 $0xFFE, v20  }
0x93: {  	v24 =	vld [tilespmem:s14+$0x0];
	vm5 =	veq.s32 v16, $0x0;
	v16 =	vadd.s32 $0xFFE, v16  }
0x94: {  	v25 =	vld [tilespmem:s14+$0x10];
	vm6 =	veq.s32 v17, $0x0;
	v17 =	vadd.s32 $0xFFE, v17  }
0x95: {  	v22 =	vadd.s32 v0, v22;
	v26 =	vld [tilespmem:s14+$0x20]  }
0x96: {  	v14 =	vsel vm1, v22, v14;
	v22 =	vadd.s32 v0, v23;
	v23 =	vld.idx.msk [tilespmem:v11+s6+$0x0], $0xffff  }
0x97: {  	v27 =	vld [tilespmem:s14+$0xFFFFFFC0];
	v28 =	vshll.u32 v14, $0x3;
	v18 =	vsel vm2, v22, v18;
	v21 =	vadd.s32 v0, v21  }
0x98: {  	v22 =	vor.u32 $0x80, v11;
	v19 =	vsel vm3, v21, v19;
	v21 =	vadd.s32 v0, v24;
	v13 =	vld.idx.msk [tilespmem:v13+s6+$0x0], $0xffff  }
0x99: {  	v24 =	vshll.u32 v18, $0x3;
	v20 =	vsel vm4, v21, v20;
	v21 =	vadd.s32 v0, v25;
	v12 =	vld.idx.msk [tilespmem:v12+s6+$0x0], $0xffff  }
0x9a: {  	v25 =	vshll.u32 v19, $0x3;
	v16 =	vsel vm5, v21, v16;
	v21 =	vadd.s32 v0, v26;
	v9 =	vld.idx.msk [tilespmem:v9+s6+$0x0], $0xffff  }
0x9b: {  	v26 =	vshll.u32 v20, $0x3;
	v29 =	vshll.u32 v16, $0x3;
	v17 =	vsel vm6, v21, v17;
	v8 =	vld.idx.msk [tilespmem:v8+s6+$0x0], $0xffff  }
0x9c: {  	v21 =	vadd.s32 v0, v27;
	v27 =	vand.u32 $0xFFFFFC00, v28;
	v28 =	vshll.u32 v17, $0x3;
	[tilespmem:s9+$0xB470] =	vst v23;
	v10 =	vld.idx.msk [tilespmem:v10+s6+$0x0], $0xffff  }
0x9d: {  	v23 =	vand.u32 $0xFFFFFC00, v25;
	v15 =	vsel vm0, v21, v15;
	v21 =	vand.u32 $0xFFFFFC00, v24;
	v22 =	vld.idx.msk [tilespmem:v22+s6+$0x0], $0xffff  }
0x9e: {  	v25 =	vand.u32 $0xFFFFFC00, v26;
	v26 =	vand.u32 $0xFFFFFC00, v29;
	v24 =	vshll.u32 v15, $0x3;
	v7 =	vld.idx.msk [tilespmem:v7+s6+$0x0], $0xffff;
	[tilespmem:s17+$0x11420] =	vst v13  }
0x9f: {  	v13 =	vand.u32 $0xFFFFFC00, v24;
	v24 =	vand.u32 $0xFFFFFC00, v28;
	v28 =	vor.u32 $0x100, v11;
	v5 =	vld.idx.msk [tilespmem:v5+s6+$0x0], $0xffff;
	[tilespmem:s17+$0x11430] =	vst v12  }
0xa0: {  	v14 =	vand.u32 $0x7F, v14;
	v12 =	vand.u32 $0x7F, v15;
	v15 =	vand.u32 $0x7F, v18;
	v6 =	vld.idx.msk [tilespmem:v6+s6+$0x0], $0xffff;
	[tilespmem:s17+$0x11440] =	vst v9  }
0xa1: {  	v16 =	vand.u32 $0x7F, v16;
	v18 =	vand.u32 $0x7F, v20;
	v9 =	vand.u32 $0x7F, v19;
	v3 =	vld.idx.msk [tilespmem:v3+s6+$0x0], $0xffff;
	[tilespmem:s17+$0x11450] =	vst v8  }
0xa2: {  	v20 =	vor.u32 v14, v27;
	v19 =	vor.u32 v12, v13;
	v8 =	vand.u32 $0x7F, v17;
	v4 =	vld.idx.msk [tilespmem:v4+s6+$0x0], $0xffff;
	[tilespmem:s17+$0x11460] =	vst v10  }
0xa3: {  	v15 =	vor.u32 v15, v21;
	v18 =	vor.u32 v18, v25;
	v17 =	vor.u32 v9, v23;
	[tilespmem:s9+$0xC470] =	vst v22  }
0xa4: {  	v16 =	vor.u32 v16, v26;
	v9 =	vor.u32 $0x80, v19;
	v21 =	vor.u32 v8, v24;
	v8 =	vld.idx.msk [tilespmem:v28+s6+$0x0], $0xffff;
	[tilespmem:s17+$0x12400] =	vst v7  }
0xa5: {  	v10 =	vor.u32 $0x80, v15;
	v22 =	vor.u32 $0x80, v17;
	v7 =	vor.u32 $0x80, v20;
	[tilespmem:s17+$0x12410] =	vst v5;
	v2 =	vld.idx.msk [tilespmem:v2+s6+$0x0], $0xffff  }
0xa6: {  	v23 =	vor.u32 $0x80, v18;
	v24 =	vor.u32 $0x80, v16;
	v5 =	vor.u32 $0x180, v11;
	[tilespmem:s17+$0x12420] =	vst v6;
	v1 =	vld.idx.msk [tilespmem:v1+s6+$0x0], $0xffff  }
0xa7: {  	v26 =	vor.u32 $0x100, v20;
	v25 =	vor.u32 $0x100, v19;
	v27 =	vor.u32 $0x80, v21;
	v6 =	vld.idx.msk [tilespmem:v19+s6+$0x0], $0xffff;
	[tilespmem:s17+$0x12430] =	vst v3  }
0xa8: {  	v30 =	vor.u32 $0x100, v18;
	v29 =	vor.u32 $0x100, v17;
	v28 =	vor.u32 $0x100, v15;
	v3 =	vld.idx.msk [tilespmem:v20+s6+$0x0], $0xffff;
	[tilespmem:s17+$0x12440] =	vst v4  }
0xa9: {  	v32 =	vor.u32 $0x100, v16;
	v31 =	vor.u32 $0x180, v19;
	v33 =	vor.u32 $0x100, v21;
	v4 =	vld.idx.msk [tilespmem:v15+s6+$0x0], $0xffff  }
0xaa: {  	v34 =	vor.u32 $0x180, v20;
	v35 =	vor.u32 $0x180, v15;
	v36 =	vor.u32 $0x180, v17;
	v12 =	vld.idx.msk [tilespmem:v17+s6+$0x0], $0xffff;
	[tilespmem:s9+$0xD470] =	vst v8  }
0xab: {  	v38 =	vor.u32 $0x180, v16;
	v37 =	vor.u32 $0x180, v18;
	v39 =	vor.u32 $0x180, v21;
	v5 =	vld.idx.msk [tilespmem:v5+s6+$0x0], $0xffff;
	[tilespmem:s17+$0x12450] =	vst v2  }
0xac: {  	v41 =	vor.u32 $0x200, v20;
	v40 =	vor.u32 $0x200, v19;
	v42 =	vor.u32 $0x200, v15;
	v2 =	vld.idx.msk [tilespmem:v18+s6+$0x0], $0xffff;
	[tilespmem:s17+$0x12460] =	vst v1;
	s17 =	smov.u32 s9  }
0xad: {  	v44 =	vor.u32 $0x200, v18;
	v43 =	vor.u32 $0x200, v17;
	[tilespmem:s17+$0xB400] =	vst v6;
	v1 =	vld.idx.msk [tilespmem:v16+s6+$0x0], $0xffff;
	v6 =	vor.u32 $0x200, v11  }
0xae: {  	v46 =	vor.u32 $0x200, v16;
	v45 =	vor.u32 $0x280, v19;
	v48 =	vor.u32 $0x200, v21;
	[tilespmem:s17+$0xB410] =	vst v3;
	v47 =	vld.idx.msk [tilespmem:v21+s6+$0x0], $0xffff  }
0xaf: {  	v50 =	vor.u32 $0x280, v20;
	v51 =	vor.u32 $0x280, v15;
	v52 =	vor.u32 $0x280, v17;
	v49 =	vld.idx.msk [tilespmem:v9+s6+$0x0], $0xffff;
	[tilespmem:s17+$0xB420] =	vst v4  }
0xb0: {  	v55 =	vor.u32 $0x280, v16;
	v54 =	vor.u32 $0x280, v18;
	v56 =	vor.u32 $0x280, v21;
	v53 =	vld.idx.msk [tilespmem:v7+s6+$0x0], $0xffff;
	[tilespmem:s17+$0xB430] =	vst v12  }
0xb1: {  	v14 =	vor.u32 $0x300, v20;
	v57 =	vor.u32 $0x300, v19;
	v13 =	vor.u32 $0x300, v15;
	v58 =	vld.idx.msk [tilespmem:v10+s6+$0x0], $0xffff;
	[tilespmem:s17+$0xE470] =	vst v5  }
0xb2: {  	v8 =	vor.u32 $0x300, v16;
	v9 =	vor.u32 $0x300, v18;
	v12 =	vor.u32 $0x300, v17;
	[tilespmem:s17+$0xB440] =	vst v2;
	v59 =	vld.idx.msk [tilespmem:v6+s6+$0x0], $0xffff  }
0xb3: {  	v7 =	vor.u32 $0x380, v19;
	v5 =	vor.u32 $0x380, v20;
	v10 =	vor.u32 $0x300, v21;
	v19 =	vld.idx.msk [tilespmem:v22+s6+$0x0], $0xffff;
	[tilespmem:s17+$0xB450] =	vst v1  }
0xb4: {  	v3 =	vor.u32 $0x380, v17;
	v17 =	vor.u32 $0x280, v11;
	v6 =	vor.u32 $0x380, v15;
	v15 =	vld.idx.msk [tilespmem:v23+s6+$0x0], $0xffff;
	[tilespmem:s17+$0xB460] =	vst v47  }
0xb5: {  	v4 =	vor.u32 $0x380, v18;
	v2 =	vor.u32 $0x380, v16;
	v1 =	vor.u32 $0x380, v21;
	[tilespmem:s17+$0xC400] =	vst v49;
	v18 =	vld.idx.msk [tilespmem:v24+s6+$0x0], $0xffff  }
0xb6: {  	[tilespmem:s17+$0xC410] =	vst v53;
	v16 =	vld.idx.msk [tilespmem:v27+s6+$0x0], $0xffff  }
0xb7: {  	v20 =	vld.idx.msk [tilespmem:v25+s6+$0x0], $0xffff;
	[tilespmem:s17+$0xC420] =	vst v58  }
0xb8: {  	v21 =	vld.idx.msk [tilespmem:v26+s6+$0x0], $0xffff;
	[tilespmem:s17+$0xF470] =	vst v59  }
0xb9: {  	[tilespmem:s17+$0xC430] =	vst v19;
	v17 =	vld.idx.msk [tilespmem:v17+s6+$0x0], $0xffff  }
0xba: {  	v19 =	vld.idx.msk [tilespmem:v28+s6+$0x0], $0xffff;
	[tilespmem:s17+$0xC440] =	vst v15  }
0xbb: {  	v15 =	vld.idx.msk [tilespmem:v29+s6+$0x0], $0xffff;
	[tilespmem:s17+$0xC450] =	vst v18;
	v18 =	vor.u32 $0x300, v11  }
0xbc: {  	v22 =	vld.idx.msk [tilespmem:v30+s6+$0x0], $0xffff;
	[tilespmem:s17+$0xC460] =	vst v16  }
0xbd: {  	[tilespmem:s17+$0xD400] =	vst v20;
	v16 =	vld.idx.msk [tilespmem:v32+s6+$0x0], $0xffff  }
0xbe: {  	[tilespmem:s17+$0xD410] =	vst v21;
	v20 =	vld.idx.msk [tilespmem:v33+s6+$0x0], $0xffff  }
0xbf: {  	v21 =	vld.idx.msk [tilespmem:v31+s6+$0x0], $0xffff;
	[tilespmem:s17+$0x10470] =	vst v17  }
0xc0: {  	[tilespmem:s17+$0xD420] =	vst v19;
	v17 =	vld.idx.msk [tilespmem:v18+s6+$0x0], $0xffff  }
0xc1: {  	v18 =	vld.idx.msk [tilespmem:v34+s6+$0x0], $0xffff;
	[tilespmem:s17+$0xD430] =	vst v15  }
0xc2: {  	v11 =	vor.u32 $0x380, v11;
	v15 =	vld.idx.msk [tilespmem:v35+s6+$0x0], $0xffff;
	[tilespmem:s17+$0xD440] =	vst v22  }
0xc3: {  	v19 =	vld.idx.msk [tilespmem:v36+s6+$0x0], $0xffff;
	[tilespmem:s17+$0xD450] =	vst v16  }
0xc4: {  	v16 =	vld.idx.msk [tilespmem:v37+s6+$0x0], $0xffff;
	[tilespmem:s17+$0xD460] =	vst v20  }
0xc5: {  	[tilespmem:s17+$0xE400] =	vst v21;
	v20 =	vld.idx.msk [tilespmem:v38+s6+$0x0], $0xffff  }
0xc6: {  	v21 =	vld.idx.msk [tilespmem:v39+s6+$0x0], $0xffff;
	[tilespmem:s17+$0x11470] =	vst v17  }
0xc7: {  	[tilespmem:s17+$0xE410] =	vst v18;
	v11 =	vld.idx.msk [tilespmem:v11+s6+$0x0], $0xffff  }
0xc8: {  	v17 =	vld.idx.msk [tilespmem:v40+s6+$0x0], $0xffff;
	[tilespmem:s17+$0xE420] =	vst v15  }
0xc9: {  	v15 =	vld.idx.msk [tilespmem:v41+s6+$0x0], $0xffff;
	[tilespmem:s17+$0xE430] =	vst v19  }
0xca: {  	v18 =	vld.idx.msk [tilespmem:v42+s6+$0x0], $0xffff;
	[tilespmem:s17+$0xE440] =	vst v16  }
0xcb: {  	v16 =	vld.idx.msk [tilespmem:v43+s6+$0x0], $0xffff;
	[tilespmem:s17+$0xE450] =	vst v20  }
0xcc: {  	v19 =	vld.idx.msk [tilespmem:v44+s6+$0x0], $0xffff;
	[tilespmem:s17+$0xE460] =	vst v21  }
0xcd: {  	v20 =	vld.idx.msk [tilespmem:v46+s6+$0x0], $0xffff;
	[tilespmem:s17+$0x12470] =	vst v11  }
0xce: {  	[tilespmem:s17+$0xF400] =	vst v17;
	v11 =	vld.idx.msk [tilespmem:v48+s6+$0x0], $0xffff  }
0xcf: {  	v21 =	vld.idx.msk [tilespmem:v45+s6+$0x0], $0xffff;
	[tilespmem:s17+$0xF410] =	vst v15  }
0xd0: {  	v15 =	vld.idx.msk [tilespmem:v50+s6+$0x0], $0xffff;
	[tilespmem:s17+$0xF420] =	vst v18  }
0xd1: {  	v22 =	vld.idx.msk [tilespmem:v51+s6+$0x0], $0xffff;
	[tilespmem:s17+$0xF430] =	vst v16  }
0xd2: {  	v16 =	vld.idx.msk [tilespmem:v52+s6+$0x0], $0xffff;
	[tilespmem:s17+$0xF440] =	vst v19  }
.Ltmp2:
0xd3: {  	v17 =	vld.idx.msk [tilespmem:v54+s6+$0x0], $0xffff;
	[tilespmem:s17+$0xF450] =	vst v20;
	(pc) =	sbr.rel @p1 .LBB2_4-.Ltmp2, $4  }
0xd4: {  	v18 =	vld.idx.msk [tilespmem:v55+s6+$0x0], $0xffff;
	[tilespmem:s17+$0xF460] =	vst v11  }
0xd5: {  	[tilespmem:s17+$0x10400] =	vst v21;
	v19 =	vld.idx.msk [tilespmem:v56+s6+$0x0], $0xffff  }
0xd6: {  	v20 =	vld.idx.msk [tilespmem:v57+s6+$0x0], $0xffff;
	[tilespmem:s17+$0x10410] =	vst v15  }
0xd7: {  	s12 =	sadd.s32 $0x1000, s12;
	s14 =	sadd.s32 $0x80, s14;
	v11 =	vld.idx.msk [tilespmem:v14+s6+$0x0], $0xffff;
	[tilespmem:s17+$0x10420] =	vst v22  }
0xd8: {  	_ =	sdelay $0x2  }
0xd9: {  	[tilespmem:s17+$0x10430] =	vst v16  }
0xda: {  	[tilespmem:s17+$0x10440] =	vst v17;
	v0 =	vld.idx.msk [tilespmem:v13+s6+$0x0], $0xffff  }
0xdb: {  	[tilespmem:s17+$0x10450] =	vst v18;
	v12 =	vld.idx.msk [tilespmem:v12+s6+$0x0], $0xffff  }
0xdc: {  	v9 =	vld.idx.msk [tilespmem:v9+s6+$0x0], $0xffff;
	[tilespmem:s17+$0x10460] =	vst v19  }
0xdd: {  	v8 =	vld.idx.msk [tilespmem:v8+s6+$0x0], $0xffff;
	[tilespmem:s17+$0x11400] =	vst v20  }
0xde: {  	v10 =	vld.idx.msk [tilespmem:v10+s6+$0x0], $0xffff;
	[tilespmem:s17+$0x11410] =	vst v11  }
0xdf: {  	v7 =	vld.idx.msk [tilespmem:v7+s6+$0x0], $0xffff;
	[tilespmem:s17+$0x11420] =	vst v0  }
0xe0: {  	v61 =	vld.idx.msk [tilespmem:v5+s6+$0x0], $0xffff;
	[tilespmem:s17+$0x11430] =	vst v12  }
0xe1: {  	v62 =	vld.idx.msk [tilespmem:v6+s6+$0x0], $0xffff;
	[tilespmem:s17+$0x11440] =	vst v9  }
0xe2: {  	v3 =	vld.idx.msk [tilespmem:v3+s6+$0x0], $0xffff;
	[tilespmem:s17+$0x11450] =	vst v8  }
0xe3: {  	v4 =	vld.idx.msk [tilespmem:v4+s6+$0x0], $0xffff;
	[tilespmem:s17+$0x11460] =	vst v10  }
0xe4: {  	s15 =	sadd.s32 $0x1, s15;
	v2 =	vld.idx.msk [tilespmem:v2+s6+$0x0], $0xffff;
	[tilespmem:s17+$0x12400] =	vst v7  }
0xe5: {  	p1 =	sne.s32 s15, $0x8;
	v63 =	vld.idx.msk [tilespmem:v1+s6+$0x0], $0xffff;
	[tilespmem:s17+$0x12410] =	vst v61  }
.Ltmp3:
0xe6: {  	[tilespmem:s17+$0x12420] =	vst v62;
	(pc) =	sbr.rel @p1 .LBB2_3-.Ltmp3, $4  }
0xe7: {  	[tilespmem:s17+$0x12430] =	vst v3  }
0xe8: {  	[tilespmem:s17+$0x12440] =	vst v4  }
0xe9: {  	[tilespmem:s17+$0x12450] =	vst v2  }
0xea: {  	s2 =	sadd.s32 $0x200, s2;
	[tilespmem:s17+$0x12460] =	vst v63  }
0xeb: {  	s1 =	sshll.u32 s3, $0xB  }
0xec: {  	s1 =	sadd.s32 s8, s1  }
0xed: {  	s2 =	sadd.s32 s5, s0;
	s1 =	sshrl.u32 s1, $0x3  }
0xee: {  	p1 =	seq.s32 s29, $0x1F;
	s2 =	sadd.s32 s1, s2  }
0xef: {  	[hbm4b:s2+s21] =	stream.strided.scatter [tilespmem:s23], [sflag:$0x3], $0x8000, s22, s21, $0x38;
	[tilespmem:$0x1B400] =	vst v63  }
0xf0: {  	s2 =	sadd.s32 @!p1 $0x2, s30  }
0xf1: {  	s9 =	sshrl.u32 @!p1 s2, $0x2  }
0xf2: {  	s2 =	sshll.u32 @!p1 s2, $0xC;
	s9 =	sadd.s32 @!p1 s13, s9  }
0xf3: {  	s2 =	sand.u32 @!p1 $0x2000, s2;
	s9 =	sshll.u32 @!p1 s9, $0xE  }
0xf4: {  	s2 =	sor.u32 @!p1 s2, s9  }
0xf5: {  	p2 =	seq.s32 @!p1 s29, $0x0;
	s11 =	simm.s32 @!p1 $0x9400;
	s2 =	sshrl.u32 @!p1 s2, $0x3  }
0xf6: {  	p2 =	por p1, !p2;
	s9 =	simm.s32 @!p1 $0x0;
	s2 =	sadd.s32 @!p1 s4, s2  }
0xf7: {  	[tilespmem:s11], [sflag:$0x1] =	stream.linear.gather @!p1 [hbm4b:s2+s9], $0x1000, $0x38;
	[tilespmem:$0x1B400] =	vst v63  }
0xf8: {  	_ =	swait.ge @p2 [sflag:s26], $0x8000  }
0xf9: {  	[sflag:s26] =	ssyncset.done @p2 $0x0  }
0xfa: {  	[sflag:s26] =	ssyncadd.s32 @p2 $0xFFFF8000  }
0xfb: {  	_ =	swait.ge [sflag:s24], $0x1000  }
0xfc: {  	s0 =	sor.u32 $0x200, s0;
	[sflag:s24] =	ssyncset.done $0x0  }
0xfd: {  	s15 =	simm.s32 $0x0;
	s2 =	simm.s32 $0x0;
	[sflag:s24] =	ssyncadd.s32 $0xFFFFF000  }
.LBB2_7:
0xfe: {  	s9 =	sor.u32 s3, s15  }
0xff: {  	v0 =	vmov s9;
	_ =	sdelay $0x3  }
0x100: {  	v1 =	vld [tilespmem:s31+$0x0]  }
0x101: {  	s17 =	sshra.s32 s2, $0x2;
	v0 =	vld.idx.msk [tilespmem:v0+s19+$0x0], $0xffff  }
0x102: {  	v2 =	vld [tilespmem:s17+$0xA470]  }
0x103: {  	v10 =	vld [tilespmem:s31+$0xFFFFFFA0]  }
0x104: {  	v11 =	vld [tilespmem:s31+$0xFFFFFFC0]  }
0x105: {  	v3 =	vld [tilespmem:s17+$0xA400]  }
0x106: {  	v4 =	vld [tilespmem:s17+$0xA410];
	v0 =	vsub.s32 $0x7FF, v0  }
0x107: {  	v6 =	vld [tilespmem:s17+$0xA420];
	vm0 =	veq.s32 v2, $0x0;
	v2 =	vadd.s32 $0xFFE, v2;
	v1 =	vadd.s32 v0, v1  }
0x108: {  	v7 =	vld [tilespmem:s17+$0xA430];
	v1 =	vsel vm0, v1, v2  }
0x109: {  	v8 =	vld [tilespmem:s17+$0xA440];
	v5 =	vshll.u32 v1, $0x3  }
0x10a: {  	v9 =	vld [tilespmem:s17+$0xA460];
	v1 =	vand.u32 $0x7F, v1;
	v5 =	vand.u32 $0xFFFFFC00, v5  }
0x10b: {  	vm15 =	veq.s32 v3, $0x0;
	v2 =	vld [tilespmem:s17+$0xA450];
	v5 =	vor.u32 v1, v5  }
0x10c: {  	v3 =	vadd.s32 $0xFFE, v3;
	vm1 =	veq.s32 v4, $0x0;
	v4 =	vadd.s32 $0xFFE, v4;
	v1 =	vld [tilespmem:s31+$0xFFFFFFB0]  }
0x10d: {  	v12 =	vld [tilespmem:s31+$0xFFFFFFD0];
	vm2 =	veq.s32 v6, $0x0;
	v6 =	vadd.s32 $0xFFE, v6;
	vm3 =	veq.s32 v7, $0x0  }
0x10e: {  	v13 =	vld [tilespmem:s31+$0xFFFFFFE0];
	v7 =	vadd.s32 $0xFFE, v7;
	vm4 =	veq.s32 v8, $0x0;
	v10 =	vadd.s32 v0, v10  }
0x10f: {  	v15 =	vld [tilespmem:s31+$0xFFFFFF90];
	v8 =	vadd.s32 $0xFFE, v8;
	vm6 =	veq.s32 v9, $0x0;
	v4 =	vsel vm1, v10, v4  }
0x110: {  	v9 =	vadd.s32 $0xFFE, v9;
	v17 =	vshll.u32 v4, $0x3;
	v4 =	vand.u32 $0x7F, v4;
	v14 =	vld.idx.msk [tilespmem:v5+s6+$0x0], $0xffff  }
0x111: {  	v16 =	vld [tilespmem:s31+$0xFFFFFFF0];
	v10 =	vor.u32 $0x80, v5;
	vm5 =	veq.s32 v2, $0x0;
	v1 =	vadd.s32 v0, v1  }
0x112: {  	v2 =	vadd.s32 $0xFFE, v2;
	v6 =	vsel vm2, v1, v6;
	v1 =	vadd.s32 v0, v11  }
0x113: {  	v11 =	vadd.s32 v0, v12;
	v7 =	vsel vm3, v1, v7;
	v12 =	vshll.u32 v6, $0x3  }
0x114: {  	v8 =	vsel vm4, v11, v8;
	v1 =	vadd.s32 v0, v13;
	v13 =	vadd.s32 v0, v15  }
0x115: {  	v15 =	vor.u32 $0x100, v5;
	[tilespmem:s17+$0x13470] =	vst v14;
	v14 =	vsel vm5, v1, v2;
	v2 =	vsel vm15, v13, v3  }
0x116: {  	v6 =	vand.u32 $0x7F, v6;
	v1 =	vadd.s32 v0, v16;
	v10 =	vld.idx.msk [tilespmem:v10+s6+$0x0], $0xffff;
	v3 =	vshll.u32 v2, $0x3  }
0x117: {  	v9 =	vsel vm6, v1, v9;
	v2 =	vand.u32 $0x7F, v2;
	v1 =	vand.u32 $0xFFFFFC00, v3  }
0x118: {  	v11 =	vshll.u32 v7, $0x3;
	v3 =	vand.u32 $0xFFFFFC00, v17;
	v1 =	vor.u32 v2, v1  }
0x119: {  	v7 =	vand.u32 $0x7F, v7;
	v2 =	vand.u32 $0xFFFFFC00, v12;
	v3 =	vor.u32 v4, v3  }
0x11a: {  	v13 =	vshll.u32 v8, $0x3;
	v4 =	vand.u32 $0xFFFFFC00, v11;
	v2 =	vor.u32 v6, v2  }
0x11b: {  	v8 =	vand.u32 $0x7F, v8;
	v11 =	vand.u32 $0xFFFFFC00, v13;
	v4 =	vor.u32 v7, v4;
	[tilespmem:s17+$0x14470] =	vst v10  }
0x11c: {  	v12 =	vor.u32 $0x180, v5;
	v6 =	vshll.u32 v14, $0x3;
	v11 =	vor.u32 v8, v11;
	v7 =	vld.idx.msk [tilespmem:v15+s6+$0x0], $0xffff  }
0x11d: {  	v13 =	vand.u32 $0x7F, v14;
	v6 =	vand.u32 $0xFFFFFC00, v6;
	v10 =	vshll.u32 v9, $0x3;
	v8 =	vld.idx.msk [tilespmem:v1+s6+$0x0], $0xffff  }
0x11e: {  	v9 =	vand.u32 $0x7F, v9;
	v14 =	vor.u32 v13, v6;
	v10 =	vand.u32 $0xFFFFFC00, v10;
	v6 =	vld.idx.msk [tilespmem:v3+s6+$0x0], $0xffff  }
0x11f: {  	v15 =	vor.u32 v9, v10;
	v9 =	vld.idx.msk [tilespmem:v2+s6+$0x0], $0xffff  }
0x120: {  	v10 =	vor.u32 $0x80, v1;
	v13 =	vld.idx.msk [tilespmem:v4+s6+$0x0], $0xffff  }
0x121: {  	v16 =	vor.u32 $0x80, v2;
	v17 =	vld.idx.msk [tilespmem:v11+s6+$0x0], $0xffff;
	[tilespmem:s17+$0x15470] =	vst v7  }
0x122: {  	v7 =	vor.u32 $0x80, v3;
	v12 =	vld.idx.msk [tilespmem:v12+s6+$0x0], $0xffff  }
0x123: {  	v19 =	vor.u32 $0x80, v4;
	[tilespmem:s17+$0x13400] =	vst v8;
	v8 =	vld.idx.msk [tilespmem:v14+s6+$0x0], $0xffff  }
0x124: {  	v20 =	vor.u32 $0x80, v11;
	[tilespmem:s17+$0x13410] =	vst v6;
	v6 =	vld.idx.msk [tilespmem:v15+s6+$0x0], $0xffff  }
0x125: {  	v18 =	vor.u32 $0x200, v5;
	v10 =	vld.idx.msk [tilespmem:v10+s6+$0x0], $0xffff;
	[tilespmem:s17+$0x13420] =	vst v9  }
0x126: {  	v9 =	vor.u32 $0x80, v14;
	[tilespmem:s17+$0x13430] =	vst v13;
	v16 =	vld.idx.msk [tilespmem:v16+s6+$0x0], $0xffff  }
0x127: {  	v13 =	vor.u32 $0x80, v15;
	[tilespmem:s17+$0x13440] =	vst v17;
	v7 =	vld.idx.msk [tilespmem:v7+s6+$0x0], $0xffff  }
0x128: {  	v19 =	vld.idx.msk [tilespmem:v19+s6+$0x0], $0xffff;
	[tilespmem:s17+$0x16470] =	vst v12;
	v12 =	vor.u32 $0x100, v1  }
0x129: {  	[tilespmem:s17+$0x13450] =	vst v8;
	v8 =	vld.idx.msk [tilespmem:v20+s6+$0x0], $0xffff;
	v20 =	vor.u32 $0x100, v2  }
0x12a: {  	[tilespmem:s17+$0x13460] =	vst v6;
	v17 =	vld.idx.msk [tilespmem:v18+s6+$0x0], $0xffff;
	v18 =	vor.u32 $0x100, v3  }
0x12b: {  	[tilespmem:s17+$0x14400] =	vst v10;
	v9 =	vld.idx.msk [tilespmem:v9+s6+$0x0], $0xffff;
	v10 =	vor.u32 $0x100, v4  }
0x12c: {  	v6 =	vor.u32 $0x280, v5;
	[tilespmem:s17+$0x14410] =	vst v7;
	v7 =	vld.idx.msk [tilespmem:v13+s6+$0x0], $0xffff  }
0x12d: {  	[tilespmem:s17+$0x14420] =	vst v16;
	v13 =	vor.u32 $0x100, v11;
	v12 =	vld.idx.msk [tilespmem:v12+s6+$0x0], $0xffff  }
0x12e: {  	v16 =	vor.u32 $0x100, v14;
	[tilespmem:s17+$0x14430] =	vst v19;
	v20 =	vld.idx.msk [tilespmem:v20+s6+$0x0], $0xffff  }
0x12f: {  	v18 =	vld.idx.msk [tilespmem:v18+s6+$0x0], $0xffff;
	[tilespmem:s17+$0x17470] =	vst v17;
	v17 =	vor.u32 $0x100, v15  }
0x130: {  	v19 =	vor.u32 $0x180, v1;
	[tilespmem:s17+$0x14440] =	vst v8;
	v8 =	vld.idx.msk [tilespmem:v10+s6+$0x0], $0xffff  }
0x131: {  	[tilespmem:s17+$0x14450] =	vst v9;
	v10 =	vor.u32 $0x180, v3;
	v6 =	vld.idx.msk [tilespmem:v6+s6+$0x0], $0xffff  }
0x132: {  	v9 =	vor.u32 $0x300, v5;
	v13 =	vld.idx.msk [tilespmem:v13+s6+$0x0], $0xffff;
	[tilespmem:s17+$0x14460] =	vst v7  }
0x133: {  	v7 =	vor.u32 $0x180, v2;
	[tilespmem:s17+$0x15400] =	vst v12;
	v12 =	vld.idx.msk [tilespmem:v16+s6+$0x0], $0xffff  }
0x134: {  	v16 =	vor.u32 $0x180, v4;
	[tilespmem:s17+$0x15420] =	vst v20;
	v17 =	vld.idx.msk [tilespmem:v17+s6+$0x0], $0xffff  }
0x135: {  	[tilespmem:s17+$0x15410] =	vst v18;
	v18 =	vor.u32 $0x180, v11;
	v19 =	vld.idx.msk [tilespmem:v19+s6+$0x0], $0xffff  }
0x136: {  	[tilespmem:s17+$0x18470] =	vst v6;
	v6 =	vor.u32 $0x180, v14;
	v10 =	vld.idx.msk [tilespmem:v10+s6+$0x0], $0xffff  }
0x137: {  	v20 =	vor.u32 $0x180, v15;
	[tilespmem:s17+$0x15430] =	vst v8;
	v9 =	vld.idx.msk [tilespmem:v9+s6+$0x0], $0xffff  }
0x138: {  	v8 =	vor.u32 $0x200, v1;
	v7 =	vld.idx.msk [tilespmem:v7+s6+$0x0], $0xffff;
	[tilespmem:s17+$0x15440] =	vst v13  }
0x139: {  	v5 =	vor.u32 $0x380, v5;
	v13 =	vld.idx.msk [tilespmem:v16+s6+$0x0], $0xffff;
	[tilespmem:s17+$0x15450] =	vst v12  }
0x13a: {  	v12 =	vor.u32 $0x200, v3;
	v16 =	vld.idx.msk [tilespmem:v18+s6+$0x0], $0xffff;
	[tilespmem:s17+$0x15460] =	vst v17  }
0x13b: {  	v17 =	vor.u32 $0x200, v2;
	[tilespmem:s17+$0x16400] =	vst v19;
	v6 =	vld.idx.msk [tilespmem:v6+s6+$0x0], $0xffff  }
0x13c: {  	v18 =	vor.u32 $0x200, v4;
	v19 =	vld.idx.msk [tilespmem:v20+s6+$0x0], $0xffff;
	[tilespmem:s17+$0x16410] =	vst v10  }
0x13d: {  	v8 =	vld.idx.msk [tilespmem:v8+s6+$0x0], $0xffff;
	[tilespmem:s17+$0x19470] =	vst v9;
	v9 =	vor.u32 $0x200, v11  }
0x13e: {  	v10 =	vor.u32 $0x200, v14;
	v5 =	vld.idx.msk [tilespmem:v5+s6+$0x0], $0xffff;
	[tilespmem:s17+$0x16420] =	vst v7  }
0x13f: {  	v7 =	vor.u32 $0x200, v15;
	v12 =	vld.idx.msk [tilespmem:v12+s6+$0x0], $0xffff;
	[tilespmem:s17+$0x16430] =	vst v13  }
0x140: {  	v13 =	vor.u32 $0x280, v1;
	v17 =	vld.idx.msk [tilespmem:v17+s6+$0x0], $0xffff;
	[tilespmem:s17+$0x16440] =	vst v16  }
0x141: {  	v16 =	vor.u32 $0x280, v3;
	v18 =	vld.idx.msk [tilespmem:v18+s6+$0x0], $0xffff;
	[tilespmem:s17+$0x16450] =	vst v6  }
0x142: {  	v6 =	vor.u32 $0x280, v2;
	[tilespmem:s17+$0x16460] =	vst v19;
	v9 =	vld.idx.msk [tilespmem:v9+s6+$0x0], $0xffff  }
0x143: {  	v19 =	vor.u32 $0x280, v4;
	[tilespmem:s17+$0x17400] =	vst v8;
	v10 =	vld.idx.msk [tilespmem:v10+s6+$0x0], $0xffff  }
0x144: {  	[tilespmem:s17+$0x1A470] =	vst v5;
	v5 =	vor.u32 $0x280, v11;
	v7 =	vld.idx.msk [tilespmem:v7+s6+$0x0], $0xffff  }
0x145: {  	v8 =	vor.u32 $0x280, v14;
	v20 =	vld.idx.msk [tilespmem:v13+s6+$0x0], $0xffff;
	[tilespmem:s17+$0x17410] =	vst v12  }
0x146: {  	v21 =	vor.u32 $0x280, v15;
	v22 =	vld.idx.msk [tilespmem:v16+s6+$0x0], $0xffff;
	[tilespmem:s17+$0x17420] =	vst v17  }
0x147: {  	v23 =	vor.u32 $0x300, v1;
	[tilespmem:s17+$0x17430] =	vst v18;
	v24 =	vld.idx.msk [tilespmem:v6+s6+$0x0], $0xffff  }
0x148: {  	v25 =	vor.u32 $0x300, v3;
	v16 =	vld.idx.msk [tilespmem:v19+s6+$0x0], $0xffff;
	[tilespmem:s17+$0x17440] =	vst v9  }
0x149: {  	[tilespmem:s17+$0x17450] =	vst v10;
	v17 =	vld.idx.msk [tilespmem:v5+s6+$0x0], $0xffff  }
0x14a: {  	v13 =	vor.u32 $0x300, v2;
	v12 =	vor.u32 $0x300, v4;
	v6 =	vor.u32 $0x380, v2;
	v18 =	vld.idx.msk [tilespmem:v8+s6+$0x0], $0xffff;
	[tilespmem:s17+$0x17460] =	vst v7  }
0x14b: {  	v2 =	vor.u32 $0x380, v14;
	v9 =	vor.u32 $0x300, v11;
	v10 =	vor.u32 $0x300, v15;
	[tilespmem:s17+$0x18400] =	vst v20;
	v19 =	vld.idx.msk [tilespmem:v21+s6+$0x0], $0xffff  }
0x14c: {  	v8 =	vor.u32 $0x300, v14;
	v7 =	vor.u32 $0x380, v1;
	v5 =	vor.u32 $0x380, v3;
	v20 =	vld.idx.msk [tilespmem:v23+s6+$0x0], $0xffff;
	[tilespmem:s17+$0x18410] =	vst v22  }
0x14d: {  	s11 =	simm.s32 $0x0;
	s12 =	sadd.s32 $0x1000, s2;
	s14 =	sadd.s32 $0x80, s31;
	v3 =	vor.u32 $0x380, v4;
	v4 =	vor.u32 $0x380, v11;
	v1 =	vor.u32 $0x380, v15;
	v11 =	vld.idx.msk [tilespmem:v25+s6+$0x0], $0xffff;
	[tilespmem:s17+$0x18420] =	vst v24  }
.LBB2_8:
0x14e: {  	s9 =	sshra.s32 s12, $0x2;
	v14 =	vld [tilespmem:s14+$0x0];
	s11 =	sadd.s32 $0x8, s11;
	[tilespmem:s17+$0x18430] =	vst v16  }
0x14f: {  	v15 =	vld [tilespmem:s9+$0xA470];
	p2 =	slt.u32 s11, $0x18;
	[tilespmem:s17+$0x18440] =	vst v17  }
0x150: {  	v16 =	vld [tilespmem:s9+$0xA400];
	[tilespmem:s17+$0x18450] =	vst v18  }
0x151: {  	v17 =	vld [tilespmem:s9+$0xA410];
	[tilespmem:s17+$0x18460] =	vst v19  }
0x152: {  	v18 =	vld [tilespmem:s9+$0xA420];
	[tilespmem:s17+$0x19400] =	vst v20  }
0x153: {  	v19 =	vld [tilespmem:s9+$0xA430];
	[tilespmem:s17+$0x19410] =	vst v11  }
0x154: {  	v11 =	vadd.s32 v0, v14;
	v20 =	vld [tilespmem:s9+$0xA440];
	vm1 =	veq.s32 v15, $0x0;
	v14 =	vadd.s32 $0xFFE, v15  }
0x155: {  	vm0 =	veq.s32 v16, $0x0;
	v15 =	vadd.s32 $0xFFE, v16;
	v16 =	vld [tilespmem:s9+$0xA450];
	v11 =	vsel vm1, v11, v14  }
0x156: {  	vm1 =	veq.s32 v17, $0x0;
	v14 =	vadd.s32 $0xFFE, v17;
	v17 =	vld [tilespmem:s9+$0xA460];
	v21 =	vshll.u32 v11, $0x3  }
0x157: {  	v11 =	vand.u32 $0x7F, v11;
	v22 =	vld [tilespmem:s14+$0xFFFFFFA0];
	vm2 =	veq.s32 v18, $0x0;
	v21 =	vand.u32 $0xFFFFFC00, v21  }
0x158: {  	v18 =	vadd.s32 $0xFFE, v18;
	v23 =	vld [tilespmem:s14+$0xFFFFFFB0];
	vm3 =	veq.s32 v19, $0x0;
	v11 =	vor.u32 v11, v21  }
0x159: {  	v19 =	vadd.s32 $0xFFE, v19;
	v21 =	vld [tilespmem:s14+$0xFFFFFFC0];
	vm4 =	veq.s32 v20, $0x0;
	v20 =	vadd.s32 $0xFFE, v20  }
0x15a: {  	v24 =	vld [tilespmem:s14+$0xFFFFFFD0];
	vm5 =	veq.s32 v16, $0x0;
	v16 =	vadd.s32 $0xFFE, v16  }
0x15b: {  	v25 =	vld [tilespmem:s14+$0xFFFFFFE0];
	vm6 =	veq.s32 v17, $0x0;
	v17 =	vadd.s32 $0xFFE, v17  }
0x15c: {  	v22 =	vadd.s32 v0, v22;
	v26 =	vld [tilespmem:s14+$0xFFFFFFF0]  }
0x15d: {  	v14 =	vsel vm1, v22, v14;
	v22 =	vadd.s32 v0, v23;
	v23 =	vld.idx.msk [tilespmem:v11+s6+$0x0], $0xffff  }
0x15e: {  	v27 =	vld [tilespmem:s14+$0xFFFFFF90];
	v28 =	vshll.u32 v14, $0x3;
	v18 =	vsel vm2, v22, v18;
	v21 =	vadd.s32 v0, v21  }
0x15f: {  	v22 =	vor.u32 $0x80, v11;
	v19 =	vsel vm3, v21, v19;
	v21 =	vadd.s32 v0, v24;
	v13 =	vld.idx.msk [tilespmem:v13+s6+$0x0], $0xffff  }
0x160: {  	v24 =	vshll.u32 v18, $0x3;
	v20 =	vsel vm4, v21, v20;
	v21 =	vadd.s32 v0, v25;
	v12 =	vld.idx.msk [tilespmem:v12+s6+$0x0], $0xffff  }
0x161: {  	v25 =	vshll.u32 v19, $0x3;
	v16 =	vsel vm5, v21, v16;
	v21 =	vadd.s32 v0, v26;
	v9 =	vld.idx.msk [tilespmem:v9+s6+$0x0], $0xffff  }
0x162: {  	v26 =	vshll.u32 v20, $0x3;
	v29 =	vshll.u32 v16, $0x3;
	v17 =	vsel vm6, v21, v17;
	v8 =	vld.idx.msk [tilespmem:v8+s6+$0x0], $0xffff  }
0x163: {  	v21 =	vadd.s32 v0, v27;
	v27 =	vand.u32 $0xFFFFFC00, v28;
	v28 =	vshll.u32 v17, $0x3;
	[tilespmem:s9+$0x13470] =	vst v23;
	v10 =	vld.idx.msk [tilespmem:v10+s6+$0x0], $0xffff  }
0x164: {  	v23 =	vand.u32 $0xFFFFFC00, v25;
	v15 =	vsel vm0, v21, v15;
	v21 =	vand.u32 $0xFFFFFC00, v24;
	v22 =	vld.idx.msk [tilespmem:v22+s6+$0x0], $0xffff  }
0x165: {  	v25 =	vand.u32 $0xFFFFFC00, v26;
	v26 =	vand.u32 $0xFFFFFC00, v29;
	v24 =	vshll.u32 v15, $0x3;
	v7 =	vld.idx.msk [tilespmem:v7+s6+$0x0], $0xffff;
	[tilespmem:s17+$0x19420] =	vst v13  }
0x166: {  	v13 =	vand.u32 $0xFFFFFC00, v24;
	v24 =	vand.u32 $0xFFFFFC00, v28;
	v28 =	vor.u32 $0x100, v11;
	v5 =	vld.idx.msk [tilespmem:v5+s6+$0x0], $0xffff;
	[tilespmem:s17+$0x19430] =	vst v12  }
0x167: {  	v14 =	vand.u32 $0x7F, v14;
	v12 =	vand.u32 $0x7F, v15;
	v15 =	vand.u32 $0x7F, v18;
	v6 =	vld.idx.msk [tilespmem:v6+s6+$0x0], $0xffff;
	[tilespmem:s17+$0x19440] =	vst v9  }
0x168: {  	v16 =	vand.u32 $0x7F, v16;
	v18 =	vand.u32 $0x7F, v20;
	v9 =	vand.u32 $0x7F, v19;
	v3 =	vld.idx.msk [tilespmem:v3+s6+$0x0], $0xffff;
	[tilespmem:s17+$0x19450] =	vst v8  }
0x169: {  	v20 =	vor.u32 v14, v27;
	v19 =	vor.u32 v12, v13;
	v8 =	vand.u32 $0x7F, v17;
	v4 =	vld.idx.msk [tilespmem:v4+s6+$0x0], $0xffff;
	[tilespmem:s17+$0x19460] =	vst v10  }
0x16a: {  	v15 =	vor.u32 v15, v21;
	v18 =	vor.u32 v18, v25;
	v17 =	vor.u32 v9, v23;
	[tilespmem:s9+$0x14470] =	vst v22  }
0x16b: {  	v16 =	vor.u32 v16, v26;
	v9 =	vor.u32 $0x80, v19;
	v21 =	vor.u32 v8, v24;
	v8 =	vld.idx.msk [tilespmem:v28+s6+$0x0], $0xffff;
	[tilespmem:s17+$0x1A400] =	vst v7  }
0x16c: {  	v10 =	vor.u32 $0x80, v15;
	v22 =	vor.u32 $0x80, v17;
	v7 =	vor.u32 $0x80, v20;
	[tilespmem:s17+$0x1A410] =	vst v5;
	v2 =	vld.idx.msk [tilespmem:v2+s6+$0x0], $0xffff  }
0x16d: {  	v23 =	vor.u32 $0x80, v18;
	v24 =	vor.u32 $0x80, v16;
	v5 =	vor.u32 $0x180, v11;
	[tilespmem:s17+$0x1A420] =	vst v6;
	v1 =	vld.idx.msk [tilespmem:v1+s6+$0x0], $0xffff  }
0x16e: {  	v26 =	vor.u32 $0x100, v20;
	v25 =	vor.u32 $0x100, v19;
	v27 =	vor.u32 $0x80, v21;
	v6 =	vld.idx.msk [tilespmem:v19+s6+$0x0], $0xffff;
	[tilespmem:s17+$0x1A430] =	vst v3  }
0x16f: {  	v30 =	vor.u32 $0x100, v18;
	v29 =	vor.u32 $0x100, v17;
	v28 =	vor.u32 $0x100, v15;
	v3 =	vld.idx.msk [tilespmem:v20+s6+$0x0], $0xffff;
	[tilespmem:s17+$0x1A440] =	vst v4  }
0x170: {  	v32 =	vor.u32 $0x100, v16;
	v31 =	vor.u32 $0x180, v19;
	v33 =	vor.u32 $0x100, v21;
	v4 =	vld.idx.msk [tilespmem:v15+s6+$0x0], $0xffff  }
0x171: {  	v34 =	vor.u32 $0x180, v20;
	v35 =	vor.u32 $0x180, v15;
	v36 =	vor.u32 $0x180, v17;
	v12 =	vld.idx.msk [tilespmem:v17+s6+$0x0], $0xffff;
	[tilespmem:s9+$0x15470] =	vst v8  }
0x172: {  	v38 =	vor.u32 $0x180, v16;
	v37 =	vor.u32 $0x180, v18;
	v39 =	vor.u32 $0x180, v21;
	v5 =	vld.idx.msk [tilespmem:v5+s6+$0x0], $0xffff;
	[tilespmem:s17+$0x1A450] =	vst v2  }
0x173: {  	v41 =	vor.u32 $0x200, v20;
	v40 =	vor.u32 $0x200, v19;
	v42 =	vor.u32 $0x200, v15;
	v2 =	vld.idx.msk [tilespmem:v18+s6+$0x0], $0xffff;
	[tilespmem:s17+$0x1A460] =	vst v1;
	s17 =	smov.u32 s9  }
0x174: {  	v44 =	vor.u32 $0x200, v18;
	v43 =	vor.u32 $0x200, v17;
	[tilespmem:s17+$0x13400] =	vst v6;
	v1 =	vld.idx.msk [tilespmem:v16+s6+$0x0], $0xffff;
	v6 =	vor.u32 $0x200, v11  }
0x175: {  	v46 =	vor.u32 $0x200, v16;
	v45 =	vor.u32 $0x280, v19;
	v48 =	vor.u32 $0x200, v21;
	[tilespmem:s17+$0x13410] =	vst v3;
	v47 =	vld.idx.msk [tilespmem:v21+s6+$0x0], $0xffff  }
0x176: {  	v50 =	vor.u32 $0x280, v20;
	v51 =	vor.u32 $0x280, v15;
	v52 =	vor.u32 $0x280, v17;
	v49 =	vld.idx.msk [tilespmem:v9+s6+$0x0], $0xffff;
	[tilespmem:s17+$0x13420] =	vst v4  }
0x177: {  	v55 =	vor.u32 $0x280, v16;
	v54 =	vor.u32 $0x280, v18;
	v56 =	vor.u32 $0x280, v21;
	v53 =	vld.idx.msk [tilespmem:v7+s6+$0x0], $0xffff;
	[tilespmem:s17+$0x13430] =	vst v12  }
0x178: {  	v14 =	vor.u32 $0x300, v20;
	v57 =	vor.u32 $0x300, v19;
	v13 =	vor.u32 $0x300, v15;
	v58 =	vld.idx.msk [tilespmem:v10+s6+$0x0], $0xffff;
	[tilespmem:s17+$0x16470] =	vst v5  }
0x179: {  	v8 =	vor.u32 $0x300, v16;
	v9 =	vor.u32 $0x300, v18;
	v12 =	vor.u32 $0x300, v17;
	[tilespmem:s17+$0x13440] =	vst v2;
	v59 =	vld.idx.msk [tilespmem:v6+s6+$0x0], $0xffff  }
0x17a: {  	v7 =	vor.u32 $0x380, v19;
	v5 =	vor.u32 $0x380, v20;
	v10 =	vor.u32 $0x300, v21;
	v19 =	vld.idx.msk [tilespmem:v22+s6+$0x0], $0xffff;
	[tilespmem:s17+$0x13450] =	vst v1  }
0x17b: {  	v3 =	vor.u32 $0x380, v17;
	v17 =	vor.u32 $0x280, v11;
	v6 =	vor.u32 $0x380, v15;
	v15 =	vld.idx.msk [tilespmem:v23+s6+$0x0], $0xffff;
	[tilespmem:s17+$0x13460] =	vst v47  }
0x17c: {  	v4 =	vor.u32 $0x380, v18;
	v2 =	vor.u32 $0x380, v16;
	v1 =	vor.u32 $0x380, v21;
	[tilespmem:s17+$0x14400] =	vst v49;
	v18 =	vld.idx.msk [tilespmem:v24+s6+$0x0], $0xffff  }
0x17d: {  	[tilespmem:s17+$0x14410] =	vst v53;
	v16 =	vld.idx.msk [tilespmem:v27+s6+$0x0], $0xffff  }
0x17e: {  	v20 =	vld.idx.msk [tilespmem:v25+s6+$0x0], $0xffff;
	[tilespmem:s17+$0x14420] =	vst v58  }
0x17f: {  	v21 =	vld.idx.msk [tilespmem:v26+s6+$0x0], $0xffff;
	[tilespmem:s17+$0x17470] =	vst v59  }
0x180: {  	[tilespmem:s17+$0x14430] =	vst v19;
	v17 =	vld.idx.msk [tilespmem:v17+s6+$0x0], $0xffff  }
0x181: {  	v19 =	vld.idx.msk [tilespmem:v28+s6+$0x0], $0xffff;
	[tilespmem:s17+$0x14440] =	vst v15  }
0x182: {  	v15 =	vld.idx.msk [tilespmem:v29+s6+$0x0], $0xffff;
	[tilespmem:s17+$0x14450] =	vst v18;
	v18 =	vor.u32 $0x300, v11  }
0x183: {  	v22 =	vld.idx.msk [tilespmem:v30+s6+$0x0], $0xffff;
	[tilespmem:s17+$0x14460] =	vst v16  }
0x184: {  	[tilespmem:s17+$0x15400] =	vst v20;
	v16 =	vld.idx.msk [tilespmem:v32+s6+$0x0], $0xffff  }
0x185: {  	[tilespmem:s17+$0x15410] =	vst v21;
	v20 =	vld.idx.msk [tilespmem:v33+s6+$0x0], $0xffff  }
0x186: {  	v21 =	vld.idx.msk [tilespmem:v31+s6+$0x0], $0xffff;
	[tilespmem:s17+$0x18470] =	vst v17  }
0x187: {  	[tilespmem:s17+$0x15420] =	vst v19;
	v17 =	vld.idx.msk [tilespmem:v18+s6+$0x0], $0xffff  }
0x188: {  	v18 =	vld.idx.msk [tilespmem:v34+s6+$0x0], $0xffff;
	[tilespmem:s17+$0x15430] =	vst v15  }
0x189: {  	v11 =	vor.u32 $0x380, v11;
	v15 =	vld.idx.msk [tilespmem:v35+s6+$0x0], $0xffff;
	[tilespmem:s17+$0x15440] =	vst v22  }
0x18a: {  	v19 =	vld.idx.msk [tilespmem:v36+s6+$0x0], $0xffff;
	[tilespmem:s17+$0x15450] =	vst v16  }
0x18b: {  	v16 =	vld.idx.msk [tilespmem:v37+s6+$0x0], $0xffff;
	[tilespmem:s17+$0x15460] =	vst v20  }
0x18c: {  	[tilespmem:s17+$0x16400] =	vst v21;
	v20 =	vld.idx.msk [tilespmem:v38+s6+$0x0], $0xffff  }
0x18d: {  	v21 =	vld.idx.msk [tilespmem:v39+s6+$0x0], $0xffff;
	[tilespmem:s17+$0x19470] =	vst v17  }
0x18e: {  	[tilespmem:s17+$0x16410] =	vst v18;
	v11 =	vld.idx.msk [tilespmem:v11+s6+$0x0], $0xffff  }
0x18f: {  	v17 =	vld.idx.msk [tilespmem:v40+s6+$0x0], $0xffff;
	[tilespmem:s17+$0x16420] =	vst v15  }
0x190: {  	v15 =	vld.idx.msk [tilespmem:v41+s6+$0x0], $0xffff;
	[tilespmem:s17+$0x16430] =	vst v19  }
0x191: {  	v18 =	vld.idx.msk [tilespmem:v42+s6+$0x0], $0xffff;
	[tilespmem:s17+$0x16440] =	vst v16  }
0x192: {  	v16 =	vld.idx.msk [tilespmem:v43+s6+$0x0], $0xffff;
	[tilespmem:s17+$0x16450] =	vst v20  }
0x193: {  	v19 =	vld.idx.msk [tilespmem:v44+s6+$0x0], $0xffff;
	[tilespmem:s17+$0x16460] =	vst v21  }
0x194: {  	v20 =	vld.idx.msk [tilespmem:v46+s6+$0x0], $0xffff;
	[tilespmem:s17+$0x1A470] =	vst v11  }
0x195: {  	[tilespmem:s17+$0x17400] =	vst v17;
	v11 =	vld.idx.msk [tilespmem:v48+s6+$0x0], $0xffff  }
0x196: {  	v21 =	vld.idx.msk [tilespmem:v45+s6+$0x0], $0xffff;
	[tilespmem:s17+$0x17410] =	vst v15  }
0x197: {  	v15 =	vld.idx.msk [tilespmem:v50+s6+$0x0], $0xffff;
	[tilespmem:s17+$0x17420] =	vst v18  }
0x198: {  	v22 =	vld.idx.msk [tilespmem:v51+s6+$0x0], $0xffff;
	[tilespmem:s17+$0x17430] =	vst v16  }
0x199: {  	v16 =	vld.idx.msk [tilespmem:v52+s6+$0x0], $0xffff;
	[tilespmem:s17+$0x17440] =	vst v19  }
.Ltmp4:
0x19a: {  	v17 =	vld.idx.msk [tilespmem:v54+s6+$0x0], $0xffff;
	[tilespmem:s17+$0x17450] =	vst v20;
	(pc) =	sbr.rel @p2 .LBB2_8-.Ltmp4, $4  }
0x19b: {  	v18 =	vld.idx.msk [tilespmem:v55+s6+$0x0], $0xffff;
	[tilespmem:s17+$0x17460] =	vst v11  }
0x19c: {  	[tilespmem:s17+$0x18400] =	vst v21;
	v19 =	vld.idx.msk [tilespmem:v56+s6+$0x0], $0xffff  }
0x19d: {  	v20 =	vld.idx.msk [tilespmem:v57+s6+$0x0], $0xffff;
	[tilespmem:s17+$0x18410] =	vst v15  }
0x19e: {  	s12 =	sadd.s32 $0x1000, s12;
	s14 =	sadd.s32 $0x80, s14;
	v11 =	vld.idx.msk [tilespmem:v14+s6+$0x0], $0xffff;
	[tilespmem:s17+$0x18420] =	vst v22  }
0x19f: {  	_ =	sdelay $0x2  }
0x1a0: {  	[tilespmem:s17+$0x18430] =	vst v16  }
0x1a1: {  	[tilespmem:s17+$0x18440] =	vst v17;
	v0 =	vld.idx.msk [tilespmem:v13+s6+$0x0], $0xffff  }
0x1a2: {  	[tilespmem:s17+$0x18450] =	vst v18;
	v12 =	vld.idx.msk [tilespmem:v12+s6+$0x0], $0xffff  }
0x1a3: {  	v9 =	vld.idx.msk [tilespmem:v9+s6+$0x0], $0xffff;
	[tilespmem:s17+$0x18460] =	vst v19  }
0x1a4: {  	v8 =	vld.idx.msk [tilespmem:v8+s6+$0x0], $0xffff;
	[tilespmem:s17+$0x19400] =	vst v20  }
0x1a5: {  	v10 =	vld.idx.msk [tilespmem:v10+s6+$0x0], $0xffff;
	[tilespmem:s17+$0x19410] =	vst v11  }
0x1a6: {  	v7 =	vld.idx.msk [tilespmem:v7+s6+$0x0], $0xffff;
	[tilespmem:s17+$0x19420] =	vst v0  }
0x1a7: {  	v61 =	vld.idx.msk [tilespmem:v5+s6+$0x0], $0xffff;
	[tilespmem:s17+$0x19430] =	vst v12  }
0x1a8: {  	v62 =	vld.idx.msk [tilespmem:v6+s6+$0x0], $0xffff;
	[tilespmem:s17+$0x19440] =	vst v9  }
0x1a9: {  	v3 =	vld.idx.msk [tilespmem:v3+s6+$0x0], $0xffff;
	[tilespmem:s17+$0x19450] =	vst v8  }
0x1aa: {  	v4 =	vld.idx.msk [tilespmem:v4+s6+$0x0], $0xffff;
	[tilespmem:s17+$0x19460] =	vst v10  }
0x1ab: {  	s15 =	sadd.s32 $0x1, s15;
	v2 =	vld.idx.msk [tilespmem:v2+s6+$0x0], $0xffff;
	[tilespmem:s17+$0x1A400] =	vst v7  }
0x1ac: {  	p2 =	sne.s32 s15, $0x8;
	v63 =	vld.idx.msk [tilespmem:v1+s6+$0x0], $0xffff;
	[tilespmem:s17+$0x1A410] =	vst v61  }
.Ltmp5:
0x1ad: {  	[tilespmem:s17+$0x1A420] =	vst v62;
	(pc) =	sbr.rel @p2 .LBB2_7-.Ltmp5, $4  }
0x1ae: {  	[tilespmem:s17+$0x1A430] =	vst v3  }
0x1af: {  	[tilespmem:s17+$0x1A440] =	vst v4  }
0x1b0: {  	[tilespmem:s17+$0x1A450] =	vst v2  }
0x1b1: {  	s2 =	sadd.s32 $0x200, s2;
	[tilespmem:s17+$0x1A460] =	vst v63  }
.Ltmp6:
0x1b2: {  	(pc) =	sbr.rel @p1 .LBB2_12-.Ltmp6, $4  }
0x1b3: {  	_ = 	snop  }
0x1b4: {  	s0 =	sadd.s32 s5, s0  }
0x1b5: {  	s0 =	sadd.s32 s1, s0  }
0x1b6: {  	[hbm4b:s0+s21] =	stream.strided.scatter [tilespmem:s25], [sflag:$0x4], $0x8000, s22, s21, $0x38;
	[tilespmem:$0x1B400] =	vst v63  }
0x1b7: {  	s0 =	sadd.s32 $0x3, s30  }
0x1b8: {  	s1 =	sshrl.u32 s0, $0x2  }
0x1b9: {  	s0 =	sshll.u32 s0, $0xC;
	s1 =	sadd.s32 s13, s1  }
.Ltmp7:
0x1ba: {  	s0 =	sand.u32 $0x3000, s0;
	s1 =	sshll.u32 s1, $0xE;
	(pc) =	sbr.rel .LBB2_2-.Ltmp7, $4  }
0x1bb: {  	s0 =	sor.u32 s0, s1  }
0x1bc: {  	s0 =	sshrl.u32 s0, $0x3  }
0x1bd: {  	s29 =	sadd.s32 $0x1, s29;
	p0 =	por !p0, !p0;
	s0 =	sadd.s32 s4, s0  }
0x1be: {  	[tilespmem:s16], [sflag:$0x2] =	stream.linear.gather [hbm4b:s0+s6], $0x1000, $0x38;
	[tilespmem:$0x1B400] =	vst v63  }
.LBB2_13:
0x1bf: {  	_ =	sfence.sel $0x180000  }
0x1c0: {  	[bflag:$0x0] =	sbarrier.arrive $0xFFFF  }
0x1c1: {  	_ =	strace $0x90000047  }
0x1c2: {  	s0 =	stileid.u32;
	[bflag:$0x2] =	sbarrier.arrive $0xFFFF  }
0x1c3: {  	p0 =	sne.s32 s0, $0x0;
	s0 =	rddreg [dreg:$0x5]  }
0x1c4: {  	s0 =	sadd.s32 @!p0 $0x100000, s0  }
0x1c5: {  	[sflag:s0] =	ssyncadd.tile.s32 @!p0 $0x1;
	_ =	shalt  }
.Lfunc_end2:
_tile_overlayer_lowered:
.L_overlay_start_2:
0x1c6: {  	(tag) =	ssettag $0x2  }
0x1c7: {  	s0 =	rddreg [dreg:$0x0];
	s2 =	stileid.u32  }
0x1c8: {  	s1 =	rddreg [dreg:$0x1];
	p0 =	sne.s32 s2, $0x0  }
0x1c9: {  	s3 =	rddreg [dreg:$0x2];
	[bflag:$0x3] =	sbarrier.arrive $0xFFFF;
	s2 =	simm.s32 @!p0 $0x1C05  }
0x1ca: {  	[timem:s3], [sflag:s2] =	dma.local @!p0 [hbm:s0], s1  }
0x1cb: {  	s0 =	simm.s32 @!p0 $0x5  }
0x1cc: {  	_ =	swait.ge @!p0 [sflag:s0], s1  }
0x1cd: {  	s1 =	ssub.s32 @!p0 $0x0, s1;
	[sflag:s0] =	ssyncset.done @!p0 $0x0  }
0x1ce: {  	[sflag:s0] =	ssyncadd.s32 @!p0 s1  }
0x1cf: {  	[bflag:$0x3] =	sbarrier.arrive $0xFFFF  }
0x1d0: {  	_ =	shalt  }

</sc_bundles>
